<compile_context>
chip_gen: v7x
topology: tpu7x:2x2x1
jax: 0.10.2.dev20260603
libtpu: 0.0.44.dev20260713+nightly
codegen_flags: <defaults>
</compile_context>

<pallas_src>
import jax
import jax.numpy as jnp
from jax import lax
from jax.experimental import pallas as pl
from jax.experimental.pallas import tpu as pltpu
from jax.experimental.pallas import tpu_sc as plsc

N = 8192
K = 192
CUTOFF2 = 0.12 * 0.12
NSUB = 32
ROWS = N // NSUB
LANES = 16
CHUNKS = N // LANES
UNROLL = 2
NROWS = 8
GROUPS = ROWS // NROWS
KR = K + LANES
OUTW = ROWS * KR
BUF = OUTW + LANES


def _body(pos_ref, out_ref, pmax_ref, xs, ys, zs, outbuf, tmpv):
    wid = lax.axis_index("c") * 16 + lax.axis_index("s")
    base = wid * ROWS

    pltpu.sync_copy(pos_ref.at[pl.ds(0, N)], xs)
    pltpu.sync_copy(pos_ref.at[pl.ds(N, N)], ys)
    pltpu.sync_copy(pos_ref.at[pl.ds(2 * N, N)], zs)

    iota = lax.iota(jnp.int32, 16)
    neg1 = jnp.full((LANES,), -1, jnp.int32)
    c2v = jnp.full((LANES,), CUTOFF2, jnp.float32)
    zerov = jnp.zeros((LANES,), jnp.int32)

    def row_body(r, maxcnt):
        ivs, cxs, cys, czs, offs, lims = [], [], [], [], [], []
        for k in range(NROWS):
            rk = k * GROUPS + r
            iv = jnp.full((LANES,), base + rk, jnp.int32)
            ivs.append(iv)
            cxs.append(plsc.load_gather(xs, [iv]))
            cys.append(plsc.load_gather(ys, [iv]))
            czs.append(plsc.load_gather(zs, [iv]))
            off = rk * KR
            offs.append(off)
            lims.append(off + K)
            for kk in range(K // LANES):
                outbuf[pl.ds(off + kk * LANES, LANES)] = neg1

        def block(q, carry):
            jv = carry[-1]
            cnts = list(carry[:-1])
            off0 = q * (UNROLL * LANES)
            for u in range(UNROLL):
                sl = pl.ds(off0 + u * LANES, LANES)
                xv = xs[sl]
                yv = ys[sl]
                zv = zs[sl]
                ms = []
                for k in range(NROWS):
                    dx = xv - cxs[k]
                    dy = yv - cys[k]
                    dz = zv - czs[k]
                    d2 = dx * dx + dy * dy + dz * dz
                    ms.append((d2 <= c2v) & (jv != ivs[k]))
                for k in range(NROWS):
                    dst = jnp.minimum(cnts[k][0], lims[k])
                    plsc.store_compressed(
                        outbuf.at[pl.ds(dst, LANES)], jv, mask=ms[k])
                for k in range(NROWS):
                    cnts[k] = cnts[k] + plsc.all_reduce_population_count(ms[k])
                jv = jv + 16
            return (*cnts, jv)

        init = tuple(jnp.full((LANES,), offs[k], jnp.int32)
                     for k in range(NROWS)) + (iota,)
        res = lax.fori_loop(0, CHUNKS // UNROLL, block, init)
        for k in range(NROWS):
            maxcnt = jnp.maximum(maxcnt, res[k] - offs[k])
        return maxcnt

    maxv = lax.fori_loop(0, GROUPS, row_body, zerov)
    pltpu.sync_copy(outbuf.at[pl.ds(0, OUTW)], out_ref.at[pl.ds(wid * OUTW, OUTW)])
    tmpv[...] = maxv
    pltpu.sync_copy(tmpv, pmax_ref.at[pl.ds(wid * LANES, LANES)])


@jax.jit
def _neigh(pos_t):
    mesh = plsc.VectorSubcoreMesh(core_axis_name="c", subcore_axis_name="s")
    return pl.kernel(
        _body,
        out_type=[
            jax.ShapeDtypeStruct((N * KR,), jnp.int32),
            jax.ShapeDtypeStruct((NSUB * LANES,), jnp.int32),
        ],
        mesh=mesh,
        compiler_params=pltpu.CompilerParams(needs_layout_passes=False),
        scratch_types=[
            pltpu.VMEM((N,), jnp.float32),
            pltpu.VMEM((N,), jnp.float32),
            pltpu.VMEM((N,), jnp.float32),
            pltpu.VMEM((BUF,), jnp.int32),
            pltpu.VMEM((LANES,), jnp.int32),
        ],
    )(pos_t)


def kernel(positions, max_neighbours):
    positions = jnp.asarray(positions)
    pos_t = positions.T.reshape(-1)
    raw, pmax = _neigh(pos_t)
    mn = jnp.asarray(max_neighbours, jnp.int32)
    to_idx = raw.reshape(N, KR)[:, :K] + (mn - K)
    cell_indices = jnp.zeros((N, K, 3), jnp.int32)
    actual_max_neighbours = jnp.max(pmax)
    return to_idx, cell_indices, actual_max_neighbours

# --- scband reference (transcript-rebuilt; emitter-appended) ---
"""Pipeline reference for scband-open-boundary-19129784336914 (READ-ONLY COPY).

The authoritative reference and input builder live on the scoring server;
editing this copy changes nothing except your own understanding.
"""

import functools
import jax, jax.numpy as jnp
import numpy as np

CUTOFF = 0.12
INCLUDE_SELF = False
MASK_VALUE = -1
N_POINTS = 8192
MAX_NEIGHBOURS = 192


def neighbours_mask_direct(centre, neighbours, cutoff):
    centred = neighbours - centre
    return jnp.array(jnp.sum(centred ** 2, axis=1) <= cutoff * cutoff, dtype=bool)


def setup_inputs(seed: int = 0) -> dict:
    key = jax.random.key(seed)
    positions = jax.random.uniform(key, (N_POINTS, 3), dtype=jnp.float32)
    return {"positions": positions, "max_neighbours": MAX_NEIGHBOURS}


def reference(positions, max_neighbours):
    positions = jnp.asarray(positions)
    num_points = positions.shape[0]
    # all-pairs cutoff mask (vmapped over centre points)
    neigh_mask = jax.vmap(neighbours_mask_direct, (0, None, None))(positions, positions, CUTOFF)
    if not INCLUDE_SELF:
        neigh_mask = neigh_mask & (~jnp.eye(num_points, dtype=bool))
    get_neighbours = functools.partial(jnp.argwhere, size=MAX_NEIGHBOURS, fill_value=MASK_VALUE)
    to_idx = jax.vmap(get_neighbours)(neigh_mask)[..., 0]
    to_idx = to_idx + jnp.asarray(max_neighbours - MAX_NEIGHBOURS, dtype=to_idx.dtype)
    cell_indices = jnp.zeros((*to_idx.shape, 3), dtype=jnp.int32)
    actual_max_neighbours = jnp.max(neigh_mask.sum(axis=1))
    # NeighbourList fields: neighbours, cell_indices, actual_max_neighbours
    return to_idx, cell_indices, actual_max_neighbours

if __name__ == "__main__":
    import jax
    _d = setup_inputs()
    print(jax.jit(kernel)(*tuple(_d.values())))

</pallas_src>

<mosaic_0001>
#map = affine_map<(d0, d1) -> (0)>
module attributes {stable_mosaic.version = 14 : i64} {
  func.func @_body(%arg0: i32, %arg1: i32, %arg2: memref<24576xf32, #tpu.memory_space<hbm>>, %arg3: memref<1703936xi32, #tpu.memory_space<hbm>>, %arg4: memref<512xi32, #tpu.memory_space<hbm>>, %arg5: memref<8192xf32, #tpu.memory_space<vmem>>, %arg6: memref<8192xf32, #tpu.memory_space<vmem>>, %arg7: memref<8192xf32, #tpu.memory_space<vmem>>, %arg8: memref<53264xi32, #tpu.memory_space<vmem>>, %arg9: memref<16xi32, #tpu.memory_space<vmem>>) attributes {dimension_semantics = [#tpu.dimension_semantics<core_parallel>, #tpu.dimension_semantics<subcore_parallel>], iteration_bounds = array<i64: 2, 16>, scalar_prefetch = 0 : i64, scratch_operands = 5 : i64, tpu.core_type = #tpu.core_type<sc_vector_subcore>, window_params = [{transform_indices = #map}, {transform_indices = #map}, {transform_indices = #map}]} {
    %mul3A = arith.constant 16 : i32
    %mul3A_0 = arith.muli %arg0, %mul3A : i32
    %add3A = arith.addi %mul3A_0, %arg1 : i32
    %mul3A_1 = arith.constant 256 : i32
    %mul3A_2 = arith.muli %add3A, %mul3A_1 : i32
    "tpu.region"() ({
      %run_scoped3A = tpu.sem_alloc : memref<!tpu.dma_semaphore, #tpu.memory_space<semaphore_mem>>
      %dma_start3A = arith.constant 0 : i32
      %dma_start3A_18 = tpu.memref_slice %arg2[%dma_start3A] : memref<24576xf32, #tpu.memory_space<hbm>> -> memref<8192xf32, #tpu.memory_space<hbm>>
      %dma_start3A_19 = arith.constant 0 : i32
      %dma_start3A_20 = tpu.memref_slice %arg2[%dma_start3A_19] : memref<24576xf32, #tpu.memory_space<hbm>> -> memref<8192xf32, #tpu.memory_space<hbm>>
      tpu.enqueue_dma source(%dma_start3A_20 : memref<8192xf32, #tpu.memory_space<hbm>>) target(%arg5 : memref<8192xf32, #tpu.memory_space<vmem>>) target_semaphore(%run_scoped3A : memref<!tpu.dma_semaphore, #tpu.memory_space<semaphore_mem>>)
      %dma_wait3A = arith.constant 0 : i32
      %dma_wait3A_21 = tpu.memref_slice %arg2[%dma_wait3A] : memref<24576xf32, #tpu.memory_space<hbm>> -> memref<8192xf32, #tpu.memory_space<hbm>>
      %dma_wait3A_22 = arith.constant 0 : i32
      %dma_wait3A_23 = tpu.memref_slice %arg2[%dma_wait3A_22] : memref<24576xf32, #tpu.memory_space<hbm>> -> memref<8192xf32, #tpu.memory_space<hbm>>
      tpu.wait_dma2 semaphore(%run_scoped3A : memref<!tpu.dma_semaphore, #tpu.memory_space<semaphore_mem>>) src(%dma_wait3A_23 : memref<8192xf32, #tpu.memory_space<hbm>>) dst(%arg5 : memref<8192xf32, #tpu.memory_space<vmem>>)
      tpu.yield
    }) : () -> ()
    "tpu.region"() ({
      %run_scoped3A = tpu.sem_alloc : memref<!tpu.dma_semaphore, #tpu.memory_space<semaphore_mem>>
      %dma_start3A = arith.constant 8192 : i32
      %dma_start3A_18 = tpu.memref_slice %arg2[%dma_start3A] : memref<24576xf32, #tpu.memory_space<hbm>> -> memref<8192xf32, #tpu.memory_space<hbm>>
      %dma_start3A_19 = arith.constant 8192 : i32
      %dma_start3A_20 = tpu.memref_slice %arg2[%dma_start3A_19] : memref<24576xf32, #tpu.memory_space<hbm>> -> memref<8192xf32, #tpu.memory_space<hbm>>
      tpu.enqueue_dma source(%dma_start3A_20 : memref<8192xf32, #tpu.memory_space<hbm>>) target(%arg6 : memref<8192xf32, #tpu.memory_space<vmem>>) target_semaphore(%run_scoped3A : memref<!tpu.dma_semaphore, #tpu.memory_space<semaphore_mem>>)
      %dma_wait3A = arith.constant 8192 : i32
      %dma_wait3A_21 = tpu.memref_slice %arg2[%dma_wait3A] : memref<24576xf32, #tpu.memory_space<hbm>> -> memref<8192xf32, #tpu.memory_space<hbm>>
      %dma_wait3A_22 = arith.constant 8192 : i32
      %dma_wait3A_23 = tpu.memref_slice %arg2[%dma_wait3A_22] : memref<24576xf32, #tpu.memory_space<hbm>> -> memref<8192xf32, #tpu.memory_space<hbm>>
      tpu.wait_dma2 semaphore(%run_scoped3A : memref<!tpu.dma_semaphore, #tpu.memory_space<semaphore_mem>>) src(%dma_wait3A_23 : memref<8192xf32, #tpu.memory_space<hbm>>) dst(%arg6 : memref<8192xf32, #tpu.memory_space<vmem>>)
      tpu.yield
    }) : () -> ()
    "tpu.region"() ({
      %run_scoped3A = tpu.sem_alloc : memref<!tpu.dma_semaphore, #tpu.memory_space<semaphore_mem>>
      %dma_start3A = arith.constant 16384 : i32
      %dma_start3A_18 = tpu.memref_slice %arg2[%dma_start3A] : memref<24576xf32, #tpu.memory_space<hbm>> -> memref<8192xf32, #tpu.memory_space<hbm>>
      %dma_start3A_19 = arith.constant 16384 : i32
      %dma_start3A_20 = tpu.memref_slice %arg2[%dma_start3A_19] : memref<24576xf32, #tpu.memory_space<hbm>> -> memref<8192xf32, #tpu.memory_space<hbm>>
      tpu.enqueue_dma source(%dma_start3A_20 : memref<8192xf32, #tpu.memory_space<hbm>>) target(%arg7 : memref<8192xf32, #tpu.memory_space<vmem>>) target_semaphore(%run_scoped3A : memref<!tpu.dma_semaphore, #tpu.memory_space<semaphore_mem>>)
      %dma_wait3A = arith.constant 16384 : i32
      %dma_wait3A_21 = tpu.memref_slice %arg2[%dma_wait3A] : memref<24576xf32, #tpu.memory_space<hbm>> -> memref<8192xf32, #tpu.memory_space<hbm>>
      %dma_wait3A_22 = arith.constant 16384 : i32
      %dma_wait3A_23 = tpu.memref_slice %arg2[%dma_wait3A_22] : memref<24576xf32, #tpu.memory_space<hbm>> -> memref<8192xf32, #tpu.memory_space<hbm>>
      tpu.wait_dma2 semaphore(%run_scoped3A : memref<!tpu.dma_semaphore, #tpu.memory_space<semaphore_mem>>) src(%dma_wait3A_23 : memref<8192xf32, #tpu.memory_space<hbm>>) dst(%arg7 : memref<8192xf32, #tpu.memory_space<vmem>>)
      tpu.yield
    }) : () -> ()
    %iota3A = tpu.iota {dimensions = array<i32: 0>} : vector<16xi32>
    %broadcast_in_dim3A = arith.constant -1 : i32
    %broadcast_in_dim3A_3 = vector.broadcast %broadcast_in_dim3A : i32 to vector<16xi32>
    %broadcast_in_dim3A_4 = arith.constant 1.440000e-02 : f32
    %broadcast_in_dim3A_5 = vector.broadcast %broadcast_in_dim3A_4 : f32 to vector<16xf32>
    %broadcast_in_dim3A_6 = arith.constant 0 : i32
    %broadcast_in_dim3A_7 = vector.broadcast %broadcast_in_dim3A_6 : i32 to vector<16xi32>
    %scan3A = arith.constant 0 : i32
    %scan3A_8 = arith.constant 32 : i32
    %scan3A_9 = arith.addi %scan3A, %scan3A_8 : i32
    %scan3A_10 = arith.constant 1 : i32
    %scan3A_11 = scf.for %scan3A_18 = %scan3A to %scan3A_9 step %scan3A_10 iter_args(%scan3A_19 = %broadcast_in_dim3A_7) -> (vector<16xi32>)  : i32 {
      %add3A_20 = arith.constant 0 : i32
      %add3A_21 = arith.addi %add3A_20, %scan3A_18 : i32
      %add3A_22 = arith.addi %mul3A_2, %add3A_21 : i32
      %broadcast_in_dim3A_23 = vector.broadcast %add3A_22 : i32 to vector<16xi32>
      %gather3A = tpu.vector_load_idx %arg5[%broadcast_in_dim3A_23] : memref<8192xf32, #tpu.memory_space<vmem>>[vector<16xi32>], vector<16xf32>,
      %gather3A_24 = tpu.vector_load_idx %arg6[%broadcast_in_dim3A_23] : memref<8192xf32, #tpu.memory_space<vmem>>[vector<16xi32>], vector<16xf32>,
      %gather3A_25 = tpu.vector_load_idx %arg7[%broadcast_in_dim3A_23] : memref<8192xf32, #tpu.memory_space<vmem>>[vector<16xi32>], vector<16xf32>,
      %mul3A_26 = arith.constant 208 : i32
      %mul3A_27 = arith.muli %add3A_21, %mul3A_26 : i32
      %add3A_28 = arith.constant 192 : i32
      %add3A_29 = arith.addi %mul3A_27, %add3A_28 : i32
      %add3A_30 = arith.constant 0 : i32
      %add3A_31 = arith.addi %mul3A_27, %add3A_30 : i32
      %swap3A_32 = arith.index_cast %add3A_31 : i32 to index
      %swap3A_33 = tpu.vector_load %arg8[%swap3A_32] {strides = array<i32>} : memref<53264xi32, #tpu.memory_space<vmem>>, vector<16xi32>,
      tpu.vector_store %arg8[%swap3A_32], %broadcast_in_dim3A_3 {strides = array<i32>} : memref<53264xi32, #tpu.memory_space<vmem>>, vector<16xi32>,
      %add3A_34 = arith.constant 16 : i32
      %add3A_35 = arith.addi %mul3A_27, %add3A_34 : i32
      %swap3A_36 = arith.index_cast %add3A_35 : i32 to index
      %swap3A_37 = tpu.vector_load %arg8[%swap3A_36] {strides = array<i32>} : memref<53264xi32, #tpu.memory_space<vmem>>, vector<16xi32>,
      tpu.vector_store %arg8[%swap3A_36], %broadcast_in_dim3A_3 {strides = array<i32>} : memref<53264xi32, #tpu.memory_space<vmem>>, vector<16xi32>,
      %add3A_38 = arith.constant 32 : i32
      %add3A_39 = arith.addi %mul3A_27, %add3A_38 : i32
      %swap3A_40 = arith.index_cast %add3A_39 : i32 to index
      %swap3A_41 = tpu.vector_load %arg8[%swap3A_40] {strides = array<i32>} : memref<53264xi32, #tpu.memory_space<vmem>>, vector<16xi32>,
      tpu.vector_store %arg8[%swap3A_40], %broadcast_in_dim3A_3 {strides = array<i32>} : memref<53264xi32, #tpu.memory_space<vmem>>, vector<16xi32>,
      %add3A_42 = arith.constant 48 : i32
      %add3A_43 = arith.addi %mul3A_27, %add3A_42 : i32
      %swap3A_44 = arith.index_cast %add3A_43 : i32 to index
      %swap3A_45 = tpu.vector_load %arg8[%swap3A_44] {strides = array<i32>} : memref<53264xi32, #tpu.memory_space<vmem>>, vector<16xi32>,
      tpu.vector_store %arg8[%swap3A_44], %broadcast_in_dim3A_3 {strides = array<i32>} : memref<53264xi32, #tpu.memory_space<vmem>>, vector<16xi32>,
      %add3A_46 = arith.constant 64 : i32
      %add3A_47 = arith.addi %mul3A_27, %add3A_46 : i32
      %swap3A_48 = arith.index_cast %add3A_47 : i32 to index
      %swap3A_49 = tpu.vector_load %arg8[%swap3A_48] {strides = array<i32>} : memref<53264xi32, #tpu.memory_space<vmem>>, vector<16xi32>,
      tpu.vector_store %arg8[%swap3A_48], %broadcast_in_dim3A_3 {strides = array<i32>} : memref<53264xi32, #tpu.memory_space<vmem>>, vector<16xi32>,
      %add3A_50 = arith.constant 80 : i32
      %add3A_51 = arith.addi %mul3A_27, %add3A_50 : i32
      %swap3A_52 = arith.index_cast %add3A_51 : i32 to index
      %swap3A_53 = tpu.vector_load %arg8[%swap3A_52] {strides = array<i32>} : memref<53264xi32, #tpu.memory_space<vmem>>, vector<16xi32>,
      tpu.vector_store %arg8[%swap3A_52], %broadcast_in_dim3A_3 {strides = array<i32>} : memref<53264xi32, #tpu.memory_space<vmem>>, vector<16xi32>,
      %add3A_54 = arith.constant 96 : i32
      %add3A_55 = arith.addi %mul3A_27, %add3A_54 : i32
      %swap3A_56 = arith.index_cast %add3A_55 : i32 to index
      %swap3A_57 = tpu.vector_load %arg8[%swap3A_56] {strides = array<i32>} : memref<53264xi32, #tpu.memory_space<vmem>>, vector<16xi32>,
      tpu.vector_store %arg8[%swap3A_56], %broadcast_in_dim3A_3 {strides = array<i32>} : memref<53264xi32, #tpu.memory_space<vmem>>, vector<16xi32>,
      %add3A_58 = arith.constant 112 : i32
      %add3A_59 = arith.addi %mul3A_27, %add3A_58 : i32
      %swap3A_60 = arith.index_cast %add3A_59 : i32 to index
      %swap3A_61 = tpu.vector_load %arg8[%swap3A_60] {strides = array<i32>} : memref<53264xi32, #tpu.memory_space<vmem>>, vector<16xi32>,
      tpu.vector_store %arg8[%swap3A_60], %broadcast_in_dim3A_3 {strides = array<i32>} : memref<53264xi32, #tpu.memory_space<vmem>>, vector<16xi32>,
      %add3A_62 = arith.constant 128 : i32
      %add3A_63 = arith.addi %mul3A_27, %add3A_62 : i32
      %swap3A_64 = arith.index_cast %add3A_63 : i32 to index
      %swap3A_65 = tpu.vector_load %arg8[%swap3A_64] {strides = array<i32>} : memref<53264xi32, #tpu.memory_space<vmem>>, vector<16xi32>,
      tpu.vector_store %arg8[%swap3A_64], %broadcast_in_dim3A_3 {strides = array<i32>} : memref<53264xi32, #tpu.memory_space<vmem>>, vector<16xi32>,
      %add3A_66 = arith.constant 144 : i32
      %add3A_67 = arith.addi %mul3A_27, %add3A_66 : i32
      %swap3A_68 = arith.index_cast %add3A_67 : i32 to index
      %swap3A_69 = tpu.vector_load %arg8[%swap3A_68] {strides = array<i32>} : memref<53264xi32, #tpu.memory_space<vmem>>, vector<16xi32>,
      tpu.vector_store %arg8[%swap3A_68], %broadcast_in_dim3A_3 {strides = array<i32>} : memref<53264xi32, #tpu.memory_space<vmem>>, vector<16xi32>,
      %add3A_70 = arith.constant 160 : i32
      %add3A_71 = arith.addi %mul3A_27, %add3A_70 : i32
      %swap3A_72 = arith.index_cast %add3A_71 : i32 to index
      %swap3A_73 = tpu.vector_load %arg8[%swap3A_72] {strides = array<i32>} : memref<53264xi32, #tpu.memory_space<vmem>>, vector<16xi32>,
      tpu.vector_store %arg8[%swap3A_72], %broadcast_in_dim3A_3 {strides = array<i32>} : memref<53264xi32, #tpu.memory_space<vmem>>, vector<16xi32>,
      %add3A_74 = arith.constant 176 : i32
      %add3A_75 = arith.addi %mul3A_27, %add3A_74 : i32
      %swap3A_76 = arith.index_cast %add3A_75 : i32 to index
      %swap3A_77 = tpu.vector_load %arg8[%swap3A_76] {strides = array<i32>} : memref<53264xi32, #tpu.memory_space<vmem>>, vector<16xi32>,
      tpu.vector_store %arg8[%swap3A_76], %broadcast_in_dim3A_3 {strides = array<i32>} : memref<53264xi32, #tpu.memory_space<vmem>>, vector<16xi32>,
      %add3A_78 = arith.constant 32 : i32
      %add3A_79 = arith.addi %add3A_78, %scan3A_18 : i32
      %add3A_80 = arith.addi %mul3A_2, %add3A_79 : i32
      %broadcast_in_dim3A_81 = vector.broadcast %add3A_80 : i32 to vector<16xi32>
      %gather3A_82 = tpu.vector_load_idx %arg5[%broadcast_in_dim3A_81] : memref<8192xf32, #tpu.memory_space<vmem>>[vector<16xi32>], vector<16xf32>,
      %gather3A_83 = tpu.vector_load_idx %arg6[%broadcast_in_dim3A_81] : memref<8192xf32, #tpu.memory_space<vmem>>[vector<16xi32>], vector<16xf32>,
      %gather3A_84 = tpu.vector_load_idx %arg7[%broadcast_in_dim3A_81] : memref<8192xf32, #tpu.memory_space<vmem>>[vector<16xi32>], vector<16xf32>,
      %mul3A_85 = arith.constant 208 : i32
      %mul3A_86 = arith.muli %add3A_79, %mul3A_85 : i32
      %add3A_87 = arith.constant 192 : i32
      %add3A_88 = arith.addi %mul3A_86, %add3A_87 : i32
      %add3A_89 = arith.constant 0 : i32
      %add3A_90 = arith.addi %mul3A_86, %add3A_89 : i32
      %swap3A_91 = arith.index_cast %add3A_90 : i32 to index
      %swap3A_92 = tpu.vector_load %arg8[%swap3A_91] {strides = array<i32>} : memref<53264xi32, #tpu.memory_space<vmem>>, vector<16xi32>,
      tpu.vector_store %arg8[%swap3A_91], %broadcast_in_dim3A_3 {strides = array<i32>} : memref<53264xi32, #tpu.memory_space<vmem>>, vector<16xi32>,
      %add3A_93 = arith.constant 16 : i32
      %add3A_94 = arith.addi %mul3A_86, %add3A_93 : i32
      %swap3A_95 = arith.index_cast %add3A_94 : i32 to index
      %swap3A_96 = tpu.vector_load %arg8[%swap3A_95] {strides = array<i32>} : memref<53264xi32, #tpu.memory_space<vmem>>, vector<16xi32>,
      tpu.vector_store %arg8[%swap3A_95], %broadcast_in_dim3A_3 {strides = array<i32>} : memref<53264xi32, #tpu.memory_space<vmem>>, vector<16xi32>,
      %add3A_97 = arith.constant 32 : i32
      %add3A_98 = arith.addi %mul3A_86, %add3A_97 : i32
      %swap3A_99 = arith.index_cast %add3A_98 : i32 to index
      %swap3A_100 = tpu.vector_load %arg8[%swap3A_99] {strides = array<i32>} : memref<53264xi32, #tpu.memory_space<vmem>>, vector<16xi32>,
      tpu.vector_store %arg8[%swap3A_99], %broadcast_in_dim3A_3 {strides = array<i32>} : memref<53264xi32, #tpu.memory_space<vmem>>, vector<16xi32>,
      %add3A_101 = arith.constant 48 : i32
      %add3A_102 = arith.addi %mul3A_86, %add3A_101 : i32
      %swap3A_103 = arith.index_cast %add3A_102 : i32 to index
      %swap3A_104 = tpu.vector_load %arg8[%swap3A_103] {strides = array<i32>} : memref<53264xi32, #tpu.memory_space<vmem>>, vector<16xi32>,
      tpu.vector_store %arg8[%swap3A_103], %broadcast_in_dim3A_3 {strides = array<i32>} : memref<53264xi32, #tpu.memory_space<vmem>>, vector<16xi32>,
      %add3A_105 = arith.constant 64 : i32
      %add3A_106 = arith.addi %mul3A_86, %add3A_105 : i32
      %swap3A_107 = arith.index_cast %add3A_106 : i32 to index
      %swap3A_108 = tpu.vector_load %arg8[%swap3A_107] {strides = array<i32>} : memref<53264xi32, #tpu.memory_space<vmem>>, vector<16xi32>,
      tpu.vector_store %arg8[%swap3A_107], %broadcast_in_dim3A_3 {strides = array<i32>} : memref<53264xi32, #tpu.memory_space<vmem>>, vector<16xi32>,
      %add3A_109 = arith.constant 80 : i32
      %add3A_110 = arith.addi %mul3A_86, %add3A_109 : i32
      %swap3A_111 = arith.index_cast %add3A_110 : i32 to index
      %swap3A_112 = tpu.vector_load %arg8[%swap3A_111] {strides = array<i32>} : memref<53264xi32, #tpu.memory_space<vmem>>, vector<16xi32>,
      tpu.vector_store %arg8[%swap3A_111], %broadcast_in_dim3A_3 {strides = array<i32>} : memref<53264xi32, #tpu.memory_space<vmem>>, vector<16xi32>,
      %add3A_113 = arith.constant 96 : i32
      %add3A_114 = arith.addi %mul3A_86, %add3A_113 : i32
      %swap3A_115 = arith.index_cast %add3A_114 : i32 to index
      %swap3A_116 = tpu.vector_load %arg8[%swap3A_115] {strides = array<i32>} : memref<53264xi32, #tpu.memory_space<vmem>>, vector<16xi32>,
      tpu.vector_store %arg8[%swap3A_115], %broadcast_in_dim3A_3 {strides = array<i32>} : memref<53264xi32, #tpu.memory_space<vmem>>, vector<16xi32>,
      %add3A_117 = arith.constant 112 : i32
      %add3A_118 = arith.addi %mul3A_86, %add3A_117 : i32
      %swap3A_119 = arith.index_cast %add3A_118 : i32 to index
      %swap3A_120 = tpu.vector_load %arg8[%swap3A_119] {strides = array<i32>} : memref<53264xi32, #tpu.memory_space<vmem>>, vector<16xi32>,
      tpu.vector_store %arg8[%swap3A_119], %broadcast_in_dim3A_3 {strides = array<i32>} : memref<53264xi32, #tpu.memory_space<vmem>>, vector<16xi32>,
      %add3A_121 = arith.constant 128 : i32
      %add3A_122 = arith.addi %mul3A_86, %add3A_121 : i32
      %swap3A_123 = arith.index_cast %add3A_122 : i32 to index
      %swap3A_124 = tpu.vector_load %arg8[%swap3A_123] {strides = array<i32>} : memref<53264xi32, #tpu.memory_space<vmem>>, vector<16xi32>,
      tpu.vector_store %arg8[%swap3A_123], %broadcast_in_dim3A_3 {strides = array<i32>} : memref<53264xi32, #tpu.memory_space<vmem>>, vector<16xi32>,
      %add3A_125 = arith.constant 144 : i32
      %add3A_126 = arith.addi %mul3A_86, %add3A_125 : i32
      %swap3A_127 = arith.index_cast %add3A_126 : i32 to index
      %swap3A_128 = tpu.vector_load %arg8[%swap3A_127] {strides = array<i32>} : memref<53264xi32, #tpu.memory_space<vmem>>, vector<16xi32>,
      tpu.vector_store %arg8[%swap3A_127], %broadcast_in_dim3A_3 {strides = array<i32>} : memref<53264xi32, #tpu.memory_space<vmem>>, vector<16xi32>,
      %add3A_129 = arith.constant 160 : i32
      %add3A_130 = arith.addi %mul3A_86, %add3A_129 : i32
      %swap3A_131 = arith.index_cast %add3A_130 : i32 to index
      %swap3A_132 = tpu.vector_load %arg8[%swap3A_131] {strides = array<i32>} : memref<53264xi32, #tpu.memory_space<vmem>>, vector<16xi32>,
      tpu.vector_store %arg8[%swap3A_131], %broadcast_in_dim3A_3 {strides = array<i32>} : memref<53264xi32, #tpu.memory_space<vmem>>, vector<16xi32>,
      %add3A_133 = arith.constant 176 : i32
      %add3A_134 = arith.addi %mul3A_86, %add3A_133 : i32
      %swap3A_135 = arith.index_cast %add3A_134 : i32 to index
      %swap3A_136 = tpu.vector_load %arg8[%swap3A_135] {strides = array<i32>} : memref<53264xi32, #tpu.memory_space<vmem>>, vector<16xi32>,
      tpu.vector_store %arg8[%swap3A_135], %broadcast_in_dim3A_3 {strides = array<i32>} : memref<53264xi32, #tpu.memory_space<vmem>>, vector<16xi32>,
      %add3A_137 = arith.constant 64 : i32
      %add3A_138 = arith.addi %add3A_137, %scan3A_18 : i32
      %add3A_139 = arith.addi %mul3A_2, %add3A_138 : i32
      %broadcast_in_dim3A_140 = vector.broadcast %add3A_139 : i32 to vector<16xi32>
      %gather3A_141 = tpu.vector_load_idx %arg5[%broadcast_in_dim3A_140] : memref<8192xf32, #tpu.memory_space<vmem>>[vector<16xi32>], vector<16xf32>,
      %gather3A_142 = tpu.vector_load_idx %arg6[%broadcast_in_dim3A_140] : memref<8192xf32, #tpu.memory_space<vmem>>[vector<16xi32>], vector<16xf32>,
      %gather3A_143 = tpu.vector_load_idx %arg7[%broadcast_in_dim3A_140] : memref<8192xf32, #tpu.memory_space<vmem>>[vector<16xi32>], vector<16xf32>,
      %mul3A_144 = arith.constant 208 : i32
      %mul3A_145 = arith.muli %add3A_138, %mul3A_144 : i32
      %add3A_146 = arith.constant 192 : i32
      %add3A_147 = arith.addi %mul3A_145, %add3A_146 : i32
      %add3A_148 = arith.constant 0 : i32
      %add3A_149 = arith.addi %mul3A_145, %add3A_148 : i32
      %swap3A_150 = arith.index_cast %add3A_149 : i32 to index
      %swap3A_151 = tpu.vector_load %arg8[%swap3A_150] {strides = array<i32>} : memref<53264xi32, #tpu.memory_space<vmem>>, vector<16xi32>,
      tpu.vector_store %arg8[%swap3A_150], %broadcast_in_dim3A_3 {strides = array<i32>} : memref<53264xi32, #tpu.memory_space<vmem>>, vector<16xi32>,
      %add3A_152 = arith.constant 16 : i32
      %add3A_153 = arith.addi %mul3A_145, %add3A_152 : i32
      %swap3A_154 = arith.index_cast %add3A_153 : i32 to index
      %swap3A_155 = tpu.vector_load %arg8[%swap3A_154] {strides = array<i32>} : memref<53264xi32, #tpu.memory_space<vmem>>, vector<16xi32>,
      tpu.vector_store %arg8[%swap3A_154], %broadcast_in_dim3A_3 {strides = array<i32>} : memref<53264xi32, #tpu.memory_space<vmem>>, vector<16xi32>,
      %add3A_156 = arith.constant 32 : i32
      %add3A_157 = arith.addi %mul3A_145, %add3A_156 : i32
      %swap3A_158 = arith.index_cast %add3A_157 : i32 to index
      %swap3A_159 = tpu.vector_load %arg8[%swap3A_158] {strides = array<i32>} : memref<53264xi32, #tpu.memory_space<vmem>>, vector<16xi32>,
      tpu.vector_store %arg8[%swap3A_158], %broadcast_in_dim3A_3 {strides = array<i32>} : memref<53264xi32, #tpu.memory_space<vmem>>, vector<16xi32>,
      %add3A_160 = arith.constant 48 : i32
      %add3A_161 = arith.addi %mul3A_145, %add3A_160 : i32
      %swap3A_162 = arith.index_cast %add3A_161 : i32 to index
      %swap3A_163 = tpu.vector_load %arg8[%swap3A_162] {strides = array<i32>} : memref<53264xi32, #tpu.memory_space<vmem>>, vector<16xi32>,
      tpu.vector_store %arg8[%swap3A_162], %broadcast_in_dim3A_3 {strides = array<i32>} : memref<53264xi32, #tpu.memory_space<vmem>>, vector<16xi32>,
      %add3A_164 = arith.constant 64 : i32
      %add3A_165 = arith.addi %mul3A_145, %add3A_164 : i32
      %swap3A_166 = arith.index_cast %add3A_165 : i32 to index
      %swap3A_167 = tpu.vector_load %arg8[%swap3A_166] {strides = array<i32>} : memref<53264xi32, #tpu.memory_space<vmem>>, vector<16xi32>,
      tpu.vector_store %arg8[%swap3A_166], %broadcast_in_dim3A_3 {strides = array<i32>} : memref<53264xi32, #tpu.memory_space<vmem>>, vector<16xi32>,
      %add3A_168 = arith.constant 80 : i32
      %add3A_169 = arith.addi %mul3A_145, %add3A_168 : i32
      %swap3A_170 = arith.index_cast %add3A_169 : i32 to index
      %swap3A_171 = tpu.vector_load %arg8[%swap3A_170] {strides = array<i32>} : memref<53264xi32, #tpu.memory_space<vmem>>, vector<16xi32>,
      tpu.vector_store %arg8[%swap3A_170], %broadcast_in_dim3A_3 {strides = array<i32>} : memref<53264xi32, #tpu.memory_space<vmem>>, vector<16xi32>,
      %add3A_172 = arith.constant 96 : i32
      %add3A_173 = arith.addi %mul3A_145, %add3A_172 : i32
      %swap3A_174 = arith.index_cast %add3A_173 : i32 to index
      %swap3A_175 = tpu.vector_load %arg8[%swap3A_174] {strides = array<i32>} : memref<53264xi32, #tpu.memory_space<vmem>>, vector<16xi32>,
      tpu.vector_store %arg8[%swap3A_174], %broadcast_in_dim3A_3 {strides = array<i32>} : memref<53264xi32, #tpu.memory_space<vmem>>, vector<16xi32>,
      %add3A_176 = arith.constant 112 : i32
      %add3A_177 = arith.addi %mul3A_145, %add3A_176 : i32
      %swap3A_178 = arith.index_cast %add3A_177 : i32 to index
      %swap3A_179 = tpu.vector_load %arg8[%swap3A_178] {strides = array<i32>} : memref<53264xi32, #tpu.memory_space<vmem>>, vector<16xi32>,
      tpu.vector_store %arg8[%swap3A_178], %broadcast_in_dim3A_3 {strides = array<i32>} : memref<53264xi32, #tpu.memory_space<vmem>>, vector<16xi32>,
      %add3A_180 = arith.constant 128 : i32
      %add3A_181 = arith.addi %mul3A_145, %add3A_180 : i32
      %swap3A_182 = arith.index_cast %add3A_181 : i32 to index
      %swap3A_183 = tpu.vector_load %arg8[%swap3A_182] {strides = array<i32>} : memref<53264xi32, #tpu.memory_space<vmem>>, vector<16xi32>,
      tpu.vector_store %arg8[%swap3A_182], %broadcast_in_dim3A_3 {strides = array<i32>} : memref<53264xi32, #tpu.memory_space<vmem>>, vector<16xi32>,
      %add3A_184 = arith.constant 144 : i32
      %add3A_185 = arith.addi %mul3A_145, %add3A_184 : i32
      %swap3A_186 = arith.index_cast %add3A_185 : i32 to index
      %swap3A_187 = tpu.vector_load %arg8[%swap3A_186] {strides = array<i32>} : memref<53264xi32, #tpu.memory_space<vmem>>, vector<16xi32>,
      tpu.vector_store %arg8[%swap3A_186], %broadcast_in_dim3A_3 {strides = array<i32>} : memref<53264xi32, #tpu.memory_space<vmem>>, vector<16xi32>,
      %add3A_188 = arith.constant 160 : i32
      %add3A_189 = arith.addi %mul3A_145, %add3A_188 : i32
      %swap3A_190 = arith.index_cast %add3A_189 : i32 to index
      %swap3A_191 = tpu.vector_load %arg8[%swap3A_190] {strides = array<i32>} : memref<53264xi32, #tpu.memory_space<vmem>>, vector<16xi32>,
      tpu.vector_store %arg8[%swap3A_190], %broadcast_in_dim3A_3 {strides = array<i32>} : memref<53264xi32, #tpu.memory_space<vmem>>, vector<16xi32>,
      %add3A_192 = arith.constant 176 : i32
      %add3A_193 = arith.addi %mul3A_145, %add3A_192 : i32
      %swap3A_194 = arith.index_cast %add3A_193 : i32 to index
      %swap3A_195 = tpu.vector_load %arg8[%swap3A_194] {strides = array<i32>} : memref<53264xi32, #tpu.memory_space<vmem>>, vector<16xi32>,
      tpu.vector_store %arg8[%swap3A_194], %broadcast_in_dim3A_3 {strides = array<i32>} : memref<53264xi32, #tpu.memory_space<vmem>>, vector<16xi32>,
      %add3A_196 = arith.constant 96 : i32
      %add3A_197 = arith.addi %add3A_196, %scan3A_18 : i32
      %add3A_198 = arith.addi %mul3A_2, %add3A_197 : i32
      %broadcast_in_dim3A_199 = vector.broadcast %add3A_198 : i32 to vector<16xi32>
      %gather3A_200 = tpu.vector_load_idx %arg5[%broadcast_in_dim3A_199] : memref<8192xf32, #tpu.memory_space<vmem>>[vector<16xi32>], vector<16xf32>,
      %gather3A_201 = tpu.vector_load_idx %arg6[%broadcast_in_dim3A_199] : memref<8192xf32, #tpu.memory_space<vmem>>[vector<16xi32>], vector<16xf32>,
      %gather3A_202 = tpu.vector_load_idx %arg7[%broadcast_in_dim3A_199] : memref<8192xf32, #tpu.memory_space<vmem>>[vector<16xi32>], vector<16xf32>,
      %mul3A_203 = arith.constant 208 : i32
      %mul3A_204 = arith.muli %add3A_197, %mul3A_203 : i32
      %add3A_205 = arith.constant 192 : i32
      %add3A_206 = arith.addi %mul3A_204, %add3A_205 : i32
      %add3A_207 = arith.constant 0 : i32
      %add3A_208 = arith.addi %mul3A_204, %add3A_207 : i32
      %swap3A_209 = arith.index_cast %add3A_208 : i32 to index
      %swap3A_210 = tpu.vector_load %arg8[%swap3A_209] {strides = array<i32>} : memref<53264xi32, #tpu.memory_space<vmem>>, vector<16xi32>,
      tpu.vector_store %arg8[%swap3A_209], %broadcast_in_dim3A_3 {strides = array<i32>} : memref<53264xi32, #tpu.memory_space<vmem>>, vector<16xi32>,
      %add3A_211 = arith.constant 16 : i32
      %add3A_212 = arith.addi %mul3A_204, %add3A_211 : i32
      %swap3A_213 = arith.index_cast %add3A_212 : i32 to index
      %swap3A_214 = tpu.vector_load %arg8[%swap3A_213] {strides = array<i32>} : memref<53264xi32, #tpu.memory_space<vmem>>, vector<16xi32>,
      tpu.vector_store %arg8[%swap3A_213], %broadcast_in_dim3A_3 {strides = array<i32>} : memref<53264xi32, #tpu.memory_space<vmem>>, vector<16xi32>,
      %add3A_215 = arith.constant 32 : i32
      %add3A_216 = arith.addi %mul3A_204, %add3A_215 : i32
      %swap3A_217 = arith.index_cast %add3A_216 : i32 to index
      %swap3A_218 = tpu.vector_load %arg8[%swap3A_217] {strides = array<i32>} : memref<53264xi32, #tpu.memory_space<vmem>>, vector<16xi32>,
      tpu.vector_store %arg8[%swap3A_217], %broadcast_in_dim3A_3 {strides = array<i32>} : memref<53264xi32, #tpu.memory_space<vmem>>, vector<16xi32>,
      %add3A_219 = arith.constant 48 : i32
      %add3A_220 = arith.addi %mul3A_204, %add3A_219 : i32
      %swap3A_221 = arith.index_cast %add3A_220 : i32 to index
      %swap3A_222 = tpu.vector_load %arg8[%swap3A_221] {strides = array<i32>} : memref<53264xi32, #tpu.memory_space<vmem>>, vector<16xi32>,
      tpu.vector_store %arg8[%swap3A_221], %broadcast_in_dim3A_3 {strides = array<i32>} : memref<53264xi32, #tpu.memory_space<vmem>>, vector<16xi32>,
      %add3A_223 = arith.constant 64 : i32
      %add3A_224 = arith.addi %mul3A_204, %add3A_223 : i32
      %swap3A_225 = arith.index_cast %add3A_224 : i32 to index
      %swap3A_226 = tpu.vector_load %arg8[%swap3A_225] {strides = array<i32>} : memref<53264xi32, #tpu.memory_space<vmem>>, vector<16xi32>,
      tpu.vector_store %arg8[%swap3A_225], %broadcast_in_dim3A_3 {strides = array<i32>} : memref<53264xi32, #tpu.memory_space<vmem>>, vector<16xi32>,
      %add3A_227 = arith.constant 80 : i32
      %add3A_228 = arith.addi %mul3A_204, %add3A_227 : i32
      %swap3A_229 = arith.index_cast %add3A_228 : i32 to index
      %swap3A_230 = tpu.vector_load %arg8[%swap3A_229] {strides = array<i32>} : memref<53264xi32, #tpu.memory_space<vmem>>, vector<16xi32>,
      tpu.vector_store %arg8[%swap3A_229], %broadcast_in_dim3A_3 {strides = array<i32>} : memref<53264xi32, #tpu.memory_space<vmem>>, vector<16xi32>,
      %add3A_231 = arith.constant 96 : i32
      %add3A_232 = arith.addi %mul3A_204, %add3A_231 : i32
      %swap3A_233 = arith.index_cast %add3A_232 : i32 to index
      %swap3A_234 = tpu.vector_load %arg8[%swap3A_233] {strides = array<i32>} : memref<53264xi32, #tpu.memory_space<vmem>>, vector<16xi32>,
      tpu.vector_store %arg8[%swap3A_233], %broadcast_in_dim3A_3 {strides = array<i32>} : memref<53264xi32, #tpu.memory_space<vmem>>, vector<16xi32>,
      %add3A_235 = arith.constant 112 : i32
      %add3A_236 = arith.addi %mul3A_204, %add3A_235 : i32
      %swap3A_237 = arith.index_cast %add3A_236 : i32 to index
      %swap3A_238 = tpu.vector_load %arg8[%swap3A_237] {strides = array<i32>} : memref<53264xi32, #tpu.memory_space<vmem>>, vector<16xi32>,
      tpu.vector_store %arg8[%swap3A_237], %broadcast_in_dim3A_3 {strides = array<i32>} : memref<53264xi32, #tpu.memory_space<vmem>>, vector<16xi32>,
      %add3A_239 = arith.constant 128 : i32
      %add3A_240 = arith.addi %mul3A_204, %add3A_239 : i32
      %swap3A_241 = arith.index_cast %add3A_240 : i32 to index
      %swap3A_242 = tpu.vector_load %arg8[%swap3A_241] {strides = array<i32>} : memref<53264xi32, #tpu.memory_space<vmem>>, vector<16xi32>,
      tpu.vector_store %arg8[%swap3A_241], %broadcast_in_dim3A_3 {strides = array<i32>} : memref<53264xi32, #tpu.memory_space<vmem>>, vector<16xi32>,
      %add3A_243 = arith.constant 144 : i32
      %add3A_244 = arith.addi %mul3A_204, %add3A_243 : i32
      %swap3A_245 = arith.index_cast %add3A_244 : i32 to index
      %swap3A_246 = tpu.vector_load %arg8[%swap3A_245] {strides = array<i32>} : memref<53264xi32, #tpu.memory_space<vmem>>, vector<16xi32>,
      tpu.vector_store %arg8[%swap3A_245], %broadcast_in_dim3A_3 {strides = array<i32>} : memref<53264xi32, #tpu.memory_space<vmem>>, vector<16xi32>,
      %add3A_247 = arith.constant 160 : i32
      %add3A_248 = arith.addi %mul3A_204, %add3A_247 : i32
      %swap3A_249 = arith.index_cast %add3A_248 : i32 to index
      %swap3A_250 = tpu.vector_load %arg8[%swap3A_249] {strides = array<i32>} : memref<53264xi32, #tpu.memory_space<vmem>>, vector<16xi32>,
      tpu.vector_store %arg8[%swap3A_249], %broadcast_in_dim3A_3 {strides = array<i32>} : memref<53264xi32, #tpu.memory_space<vmem>>, vector<16xi32>,
      %add3A_251 = arith.constant 176 : i32
      %add3A_252 = arith.addi %mul3A_204, %add3A_251 : i32
      %swap3A_253 = arith.index_cast %add3A_252 : i32 to index
      %swap3A_254 = tpu.vector_load %arg8[%swap3A_253] {strides = array<i32>} : memref<53264xi32, #tpu.memory_space<vmem>>, vector<16xi32>,
      tpu.vector_store %arg8[%swap3A_253], %broadcast_in_dim3A_3 {strides = array<i32>} : memref<53264xi32, #tpu.memory_space<vmem>>, vector<16xi32>,
      %add3A_255 = arith.constant 128 : i32
      %add3A_256 = arith.addi %add3A_255, %scan3A_18 : i32
      %add3A_257 = arith.addi %mul3A_2, %add3A_256 : i32
      %broadcast_in_dim3A_258 = vector.broadcast %add3A_257 : i32 to vector<16xi32>
      %gather3A_259 = tpu.vector_load_idx %arg5[%broadcast_in_dim3A_258] : memref<8192xf32, #tpu.memory_space<vmem>>[vector<16xi32>], vector<16xf32>,
      %gather3A_260 = tpu.vector_load_idx %arg6[%broadcast_in_dim3A_258] : memref<8192xf32, #tpu.memory_space<vmem>>[vector<16xi32>], vector<16xf32>,
      %gather3A_261 = tpu.vector_load_idx %arg7[%broadcast_in_dim3A_258] : memref<8192xf32, #tpu.memory_space<vmem>>[vector<16xi32>], vector<16xf32>,
      %mul3A_262 = arith.constant 208 : i32
      %mul3A_263 = arith.muli %add3A_256, %mul3A_262 : i32
      %add3A_264 = arith.constant 192 : i32
      %add3A_265 = arith.addi %mul3A_263, %add3A_264 : i32
      %add3A_266 = arith.constant 0 : i32
      %add3A_267 = arith.addi %mul3A_263, %add3A_266 : i32
      %swap3A_268 = arith.index_cast %add3A_267 : i32 to index
      %swap3A_269 = tpu.vector_load %arg8[%swap3A_268] {strides = array<i32>} : memref<53264xi32, #tpu.memory_space<vmem>>, vector<16xi32>,
      tpu.vector_store %arg8[%swap3A_268], %broadcast_in_dim3A_3 {strides = array<i32>} : memref<53264xi32, #tpu.memory_space<vmem>>, vector<16xi32>,
      %add3A_270 = arith.constant 16 : i32
      %add3A_271 = arith.addi %mul3A_263, %add3A_270 : i32
      %swap3A_272 = arith.index_cast %add3A_271 : i32 to index
      %swap3A_273 = tpu.vector_load %arg8[%swap3A_272] {strides = array<i32>} : memref<53264xi32, #tpu.memory_space<vmem>>, vector<16xi32>,
      tpu.vector_store %arg8[%swap3A_272], %broadcast_in_dim3A_3 {strides = array<i32>} : memref<53264xi32, #tpu.memory_space<vmem>>, vector<16xi32>,
      %add3A_274 = arith.constant 32 : i32
      %add3A_275 = arith.addi %mul3A_263, %add3A_274 : i32
      %swap3A_276 = arith.index_cast %add3A_275 : i32 to index
      %swap3A_277 = tpu.vector_load %arg8[%swap3A_276] {strides = array<i32>} : memref<53264xi32, #tpu.memory_space<vmem>>, vector<16xi32>,
      tpu.vector_store %arg8[%swap3A_276], %broadcast_in_dim3A_3 {strides = array<i32>} : memref<53264xi32, #tpu.memory_space<vmem>>, vector<16xi32>,
      %add3A_278 = arith.constant 48 : i32
      %add3A_279 = arith.addi %mul3A_263, %add3A_278 : i32
      %swap3A_280 = arith.index_cast %add3A_279 : i32 to index
      %swap3A_281 = tpu.vector_load %arg8[%swap3A_280] {strides = array<i32>} : memref<53264xi32, #tpu.memory_space<vmem>>, vector<16xi32>,
      tpu.vector_store %arg8[%swap3A_280], %broadcast_in_dim3A_3 {strides = array<i32>} : memref<53264xi32, #tpu.memory_space<vmem>>, vector<16xi32>,
      %add3A_282 = arith.constant 64 : i32
      %add3A_283 = arith.addi %mul3A_263, %add3A_282 : i32
      %swap3A_284 = arith.index_cast %add3A_283 : i32 to index
      %swap3A_285 = tpu.vector_load %arg8[%swap3A_284] {strides = array<i32>} : memref<53264xi32, #tpu.memory_space<vmem>>, vector<16xi32>,
      tpu.vector_store %arg8[%swap3A_284], %broadcast_in_dim3A_3 {strides = array<i32>} : memref<53264xi32, #tpu.memory_space<vmem>>, vector<16xi32>,
      %add3A_286 = arith.constant 80 : i32
      %add3A_287 = arith.addi %mul3A_263, %add3A_286 : i32
      %swap3A_288 = arith.index_cast %add3A_287 : i32 to index
      %swap3A_289 = tpu.vector_load %arg8[%swap3A_288] {strides = array<i32>} : memref<53264xi32, #tpu.memory_space<vmem>>, vector<16xi32>,
      tpu.vector_store %arg8[%swap3A_288], %broadcast_in_dim3A_3 {strides = array<i32>} : memref<53264xi32, #tpu.memory_space<vmem>>, vector<16xi32>,
      %add3A_290 = arith.constant 96 : i32
      %add3A_291 = arith.addi %mul3A_263, %add3A_290 : i32
      %swap3A_292 = arith.index_cast %add3A_291 : i32 to index
      %swap3A_293 = tpu.vector_load %arg8[%swap3A_292] {strides = array<i32>} : memref<53264xi32, #tpu.memory_space<vmem>>, vector<16xi32>,
      tpu.vector_store %arg8[%swap3A_292], %broadcast_in_dim3A_3 {strides = array<i32>} : memref<53264xi32, #tpu.memory_space<vmem>>, vector<16xi32>,
      %add3A_294 = arith.constant 112 : i32
      %add3A_295 = arith.addi %mul3A_263, %add3A_294 : i32
      %swap3A_296 = arith.index_cast %add3A_295 : i32 to index
      %swap3A_297 = tpu.vector_load %arg8[%swap3A_296] {strides = array<i32>} : memref<53264xi32, #tpu.memory_space<vmem>>, vector<16xi32>,
      tpu.vector_store %arg8[%swap3A_296], %broadcast_in_dim3A_3 {strides = array<i32>} : memref<53264xi32, #tpu.memory_space<vmem>>, vector<16xi32>,
      %add3A_298 = arith.constant 128 : i32
      %add3A_299 = arith.addi %mul3A_263, %add3A_298 : i32
      %swap3A_300 = arith.index_cast %add3A_299 : i32 to index
      %swap3A_301 = tpu.vector_load %arg8[%swap3A_300] {strides = array<i32>} : memref<53264xi32, #tpu.memory_space<vmem>>, vector<16xi32>,
      tpu.vector_store %arg8[%swap3A_300], %broadcast_in_dim3A_3 {strides = array<i32>} : memref<53264xi32, #tpu.memory_space<vmem>>, vector<16xi32>,
      %add3A_302 = arith.constant 144 : i32
      %add3A_303 = arith.addi %mul3A_263, %add3A_302 : i32
      %swap3A_304 = arith.index_cast %add3A_303 : i32 to index
      %swap3A_305 = tpu.vector_load %arg8[%swap3A_304] {strides = array<i32>} : memref<53264xi32, #tpu.memory_space<vmem>>, vector<16xi32>,
      tpu.vector_store %arg8[%swap3A_304], %broadcast_in_dim3A_3 {strides = array<i32>} : memref<53264xi32, #tpu.memory_space<vmem>>, vector<16xi32>,
      %add3A_306 = arith.constant 160 : i32
      %add3A_307 = arith.addi %mul3A_263, %add3A_306 : i32
      %swap3A_308 = arith.index_cast %add3A_307 : i32 to index
      %swap3A_309 = tpu.vector_load %arg8[%swap3A_308] {strides = array<i32>} : memref<53264xi32, #tpu.memory_space<vmem>>, vector<16xi32>,
      tpu.vector_store %arg8[%swap3A_308], %broadcast_in_dim3A_3 {strides = array<i32>} : memref<53264xi32, #tpu.memory_space<vmem>>, vector<16xi32>,
      %add3A_310 = arith.constant 176 : i32
      %add3A_311 = arith.addi %mul3A_263, %add3A_310 : i32
      %swap3A_312 = arith.index_cast %add3A_311 : i32 to index
      %swap3A_313 = tpu.vector_load %arg8[%swap3A_312] {strides = array<i32>} : memref<53264xi32, #tpu.memory_space<vmem>>, vector<16xi32>,
      tpu.vector_store %arg8[%swap3A_312], %broadcast_in_dim3A_3 {strides = array<i32>} : memref<53264xi32, #tpu.memory_space<vmem>>, vector<16xi32>,
      %add3A_314 = arith.constant 160 : i32
      %add3A_315 = arith.addi %add3A_314, %scan3A_18 : i32
      %add3A_316 = arith.addi %mul3A_2, %add3A_315 : i32
      %broadcast_in_dim3A_317 = vector.broadcast %add3A_316 : i32 to vector<16xi32>
      %gather3A_318 = tpu.vector_load_idx %arg5[%broadcast_in_dim3A_317] : memref<8192xf32, #tpu.memory_space<vmem>>[vector<16xi32>], vector<16xf32>,
      %gather3A_319 = tpu.vector_load_idx %arg6[%broadcast_in_dim3A_317] : memref<8192xf32, #tpu.memory_space<vmem>>[vector<16xi32>], vector<16xf32>,
      %gather3A_320 = tpu.vector_load_idx %arg7[%broadcast_in_dim3A_317] : memref<8192xf32, #tpu.memory_space<vmem>>[vector<16xi32>], vector<16xf32>,
      %mul3A_321 = arith.constant 208 : i32
      %mul3A_322 = arith.muli %add3A_315, %mul3A_321 : i32
      %add3A_323 = arith.constant 192 : i32
      %add3A_324 = arith.addi %mul3A_322, %add3A_323 : i32
      %add3A_325 = arith.constant 0 : i32
      %add3A_326 = arith.addi %mul3A_322, %add3A_325 : i32
      %swap3A_327 = arith.index_cast %add3A_326 : i32 to index
      %swap3A_328 = tpu.vector_load %arg8[%swap3A_327] {strides = array<i32>} : memref<53264xi32, #tpu.memory_space<vmem>>, vector<16xi32>,
      tpu.vector_store %arg8[%swap3A_327], %broadcast_in_dim3A_3 {strides = array<i32>} : memref<53264xi32, #tpu.memory_space<vmem>>, vector<16xi32>,
      %add3A_329 = arith.constant 16 : i32
      %add3A_330 = arith.addi %mul3A_322, %add3A_329 : i32
      %swap3A_331 = arith.index_cast %add3A_330 : i32 to index
      %swap3A_332 = tpu.vector_load %arg8[%swap3A_331] {strides = array<i32>} : memref<53264xi32, #tpu.memory_space<vmem>>, vector<16xi32>,
      tpu.vector_store %arg8[%swap3A_331], %broadcast_in_dim3A_3 {strides = array<i32>} : memref<53264xi32, #tpu.memory_space<vmem>>, vector<16xi32>,
      %add3A_333 = arith.constant 32 : i32
      %add3A_334 = arith.addi %mul3A_322, %add3A_333 : i32
      %swap3A_335 = arith.index_cast %add3A_334 : i32 to index
      %swap3A_336 = tpu.vector_load %arg8[%swap3A_335] {strides = array<i32>} : memref<53264xi32, #tpu.memory_space<vmem>>, vector<16xi32>,
      tpu.vector_store %arg8[%swap3A_335], %broadcast_in_dim3A_3 {strides = array<i32>} : memref<53264xi32, #tpu.memory_space<vmem>>, vector<16xi32>,
      %add3A_337 = arith.constant 48 : i32
      %add3A_338 = arith.addi %mul3A_322, %add3A_337 : i32
      %swap3A_339 = arith.index_cast %add3A_338 : i32 to index
      %swap3A_340 = tpu.vector_load %arg8[%swap3A_339] {strides = array<i32>} : memref<53264xi32, #tpu.memory_space<vmem>>, vector<16xi32>,
      tpu.vector_store %arg8[%swap3A_339], %broadcast_in_dim3A_3 {strides = array<i32>} : memref<53264xi32, #tpu.memory_space<vmem>>, vector<16xi32>,
      %add3A_341 = arith.constant 64 : i32
      %add3A_342 = arith.addi %mul3A_322, %add3A_341 : i32
      %swap3A_343 = arith.index_cast %add3A_342 : i32 to index
      %swap3A_344 = tpu.vector_load %arg8[%swap3A_343] {strides = array<i32>} : memref<53264xi32, #tpu.memory_space<vmem>>, vector<16xi32>,
      tpu.vector_store %arg8[%swap3A_343], %broadcast_in_dim3A_3 {strides = array<i32>} : memref<53264xi32, #tpu.memory_space<vmem>>, vector<16xi32>,
      %add3A_345 = arith.constant 80 : i32
      %add3A_346 = arith.addi %mul3A_322, %add3A_345 : i32
      %swap3A_347 = arith.index_cast %add3A_346 : i32 to index
      %swap3A_348 = tpu.vector_load %arg8[%swap3A_347] {strides = array<i32>} : memref<53264xi32, #tpu.memory_space<vmem>>, vector<16xi32>,
      tpu.vector_store %arg8[%swap3A_347], %broadcast_in_dim3A_3 {strides = array<i32>} : memref<53264xi32, #tpu.memory_space<vmem>>, vector<16xi32>,
      %add3A_349 = arith.constant 96 : i32
      %add3A_350 = arith.addi %mul3A_322, %add3A_349 : i32
      %swap3A_351 = arith.index_cast %add3A_350 : i32 to index
      %swap3A_352 = tpu.vector_load %arg8[%swap3A_351] {strides = array<i32>} : memref<53264xi32, #tpu.memory_space<vmem>>, vector<16xi32>,
      tpu.vector_store %arg8[%swap3A_351], %broadcast_in_dim3A_3 {strides = array<i32>} : memref<53264xi32, #tpu.memory_space<vmem>>, vector<16xi32>,
      %add3A_353 = arith.constant 112 : i32
      %add3A_354 = arith.addi %mul3A_322, %add3A_353 : i32
      %swap3A_355 = arith.index_cast %add3A_354 : i32 to index
      %swap3A_356 = tpu.vector_load %arg8[%swap3A_355] {strides = array<i32>} : memref<53264xi32, #tpu.memory_space<vmem>>, vector<16xi32>,
      tpu.vector_store %arg8[%swap3A_355], %broadcast_in_dim3A_3 {strides = array<i32>} : memref<53264xi32, #tpu.memory_space<vmem>>, vector<16xi32>,
      %add3A_357 = arith.constant 128 : i32
      %add3A_358 = arith.addi %mul3A_322, %add3A_357 : i32
      %swap3A_359 = arith.index_cast %add3A_358 : i32 to index
      %swap3A_360 = tpu.vector_load %arg8[%swap3A_359] {strides = array<i32>} : memref<53264xi32, #tpu.memory_space<vmem>>, vector<16xi32>,
      tpu.vector_store %arg8[%swap3A_359], %broadcast_in_dim3A_3 {strides = array<i32>} : memref<53264xi32, #tpu.memory_space<vmem>>, vector<16xi32>,
      %add3A_361 = arith.constant 144 : i32
      %add3A_362 = arith.addi %mul3A_322, %add3A_361 : i32
      %swap3A_363 = arith.index_cast %add3A_362 : i32 to index
      %swap3A_364 = tpu.vector_load %arg8[%swap3A_363] {strides = array<i32>} : memref<53264xi32, #tpu.memory_space<vmem>>, vector<16xi32>,
      tpu.vector_store %arg8[%swap3A_363], %broadcast_in_dim3A_3 {strides = array<i32>} : memref<53264xi32, #tpu.memory_space<vmem>>, vector<16xi32>,
      %add3A_365 = arith.constant 160 : i32
      %add3A_366 = arith.addi %mul3A_322, %add3A_365 : i32
      %swap3A_367 = arith.index_cast %add3A_366 : i32 to index
      %swap3A_368 = tpu.vector_load %arg8[%swap3A_367] {strides = array<i32>} : memref<53264xi32, #tpu.memory_space<vmem>>, vector<16xi32>,
      tpu.vector_store %arg8[%swap3A_367], %broadcast_in_dim3A_3 {strides = array<i32>} : memref<53264xi32, #tpu.memory_space<vmem>>, vector<16xi32>,
      %add3A_369 = arith.constant 176 : i32
      %add3A_370 = arith.addi %mul3A_322, %add3A_369 : i32
      %swap3A_371 = arith.index_cast %add3A_370 : i32 to index
      %swap3A_372 = tpu.vector_load %arg8[%swap3A_371] {strides = array<i32>} : memref<53264xi32, #tpu.memory_space<vmem>>, vector<16xi32>,
      tpu.vector_store %arg8[%swap3A_371], %broadcast_in_dim3A_3 {strides = array<i32>} : memref<53264xi32, #tpu.memory_space<vmem>>, vector<16xi32>,
      %add3A_373 = arith.constant 192 : i32
      %add3A_374 = arith.addi %add3A_373, %scan3A_18 : i32
      %add3A_375 = arith.addi %mul3A_2, %add3A_374 : i32
      %broadcast_in_dim3A_376 = vector.broadcast %add3A_375 : i32 to vector<16xi32>
      %gather3A_377 = tpu.vector_load_idx %arg5[%broadcast_in_dim3A_376] : memref<8192xf32, #tpu.memory_space<vmem>>[vector<16xi32>], vector<16xf32>,
      %gather3A_378 = tpu.vector_load_idx %arg6[%broadcast_in_dim3A_376] : memref<8192xf32, #tpu.memory_space<vmem>>[vector<16xi32>], vector<16xf32>,
      %gather3A_379 = tpu.vector_load_idx %arg7[%broadcast_in_dim3A_376] : memref<8192xf32, #tpu.memory_space<vmem>>[vector<16xi32>], vector<16xf32>,
      %mul3A_380 = arith.constant 208 : i32
      %mul3A_381 = arith.muli %add3A_374, %mul3A_380 : i32
      %add3A_382 = arith.constant 192 : i32
      %add3A_383 = arith.addi %mul3A_381, %add3A_382 : i32
      %add3A_384 = arith.constant 0 : i32
      %add3A_385 = arith.addi %mul3A_381, %add3A_384 : i32
      %swap3A_386 = arith.index_cast %add3A_385 : i32 to index
      %swap3A_387 = tpu.vector_load %arg8[%swap3A_386] {strides = array<i32>} : memref<53264xi32, #tpu.memory_space<vmem>>, vector<16xi32>,
      tpu.vector_store %arg8[%swap3A_386], %broadcast_in_dim3A_3 {strides = array<i32>} : memref<53264xi32, #tpu.memory_space<vmem>>, vector<16xi32>,
      %add3A_388 = arith.constant 16 : i32
      %add3A_389 = arith.addi %mul3A_381, %add3A_388 : i32
      %swap3A_390 = arith.index_cast %add3A_389 : i32 to index
      %swap3A_391 = tpu.vector_load %arg8[%swap3A_390] {strides = array<i32>} : memref<53264xi32, #tpu.memory_space<vmem>>, vector<16xi32>,
      tpu.vector_store %arg8[%swap3A_390], %broadcast_in_dim3A_3 {strides = array<i32>} : memref<53264xi32, #tpu.memory_space<vmem>>, vector<16xi32>,
      %add3A_392 = arith.constant 32 : i32
      %add3A_393 = arith.addi %mul3A_381, %add3A_392 : i32
      %swap3A_394 = arith.index_cast %add3A_393 : i32 to index
      %swap3A_395 = tpu.vector_load %arg8[%swap3A_394] {strides = array<i32>} : memref<53264xi32, #tpu.memory_space<vmem>>, vector<16xi32>,
      tpu.vector_store %arg8[%swap3A_394], %broadcast_in_dim3A_3 {strides = array<i32>} : memref<53264xi32, #tpu.memory_space<vmem>>, vector<16xi32>,
      %add3A_396 = arith.constant 48 : i32
      %add3A_397 = arith.addi %mul3A_381, %add3A_396 : i32
      %swap3A_398 = arith.index_cast %add3A_397 : i32 to index
      %swap3A_399 = tpu.vector_load %arg8[%swap3A_398] {strides = array<i32>} : memref<53264xi32, #tpu.memory_space<vmem>>, vector<16xi32>,
      tpu.vector_store %arg8[%swap3A_398], %broadcast_in_dim3A_3 {strides = array<i32>} : memref<53264xi32, #tpu.memory_space<vmem>>, vector<16xi32>,
      %add3A_400 = arith.constant 64 : i32
      %add3A_401 = arith.addi %mul3A_381, %add3A_400 : i32
      %swap3A_402 = arith.index_cast %add3A_401 : i32 to index
      %swap3A_403 = tpu.vector_load %arg8[%swap3A_402] {strides = array<i32>} : memref<53264xi32, #tpu.memory_space<vmem>>, vector<16xi32>,
      tpu.vector_store %arg8[%swap3A_402], %broadcast_in_dim3A_3 {strides = array<i32>} : memref<53264xi32, #tpu.memory_space<vmem>>, vector<16xi32>,
      %add3A_404 = arith.constant 80 : i32
      %add3A_405 = arith.addi %mul3A_381, %add3A_404 : i32
      %swap3A_406 = arith.index_cast %add3A_405 : i32 to index
      %swap3A_407 = tpu.vector_load %arg8[%swap3A_406] {strides = array<i32>} : memref<53264xi32, #tpu.memory_space<vmem>>, vector<16xi32>,
      tpu.vector_store %arg8[%swap3A_406], %broadcast_in_dim3A_3 {strides = array<i32>} : memref<53264xi32, #tpu.memory_space<vmem>>, vector<16xi32>,
      %add3A_408 = arith.constant 96 : i32
      %add3A_409 = arith.addi %mul3A_381, %add3A_408 : i32
      %swap3A_410 = arith.index_cast %add3A_409 : i32 to index
      %swap3A_411 = tpu.vector_load %arg8[%swap3A_410] {strides = array<i32>} : memref<53264xi32, #tpu.memory_space<vmem>>, vector<16xi32>,
      tpu.vector_store %arg8[%swap3A_410], %broadcast_in_dim3A_3 {strides = array<i32>} : memref<53264xi32, #tpu.memory_space<vmem>>, vector<16xi32>,
      %add3A_412 = arith.constant 112 : i32
      %add3A_413 = arith.addi %mul3A_381, %add3A_412 : i32
      %swap3A_414 = arith.index_cast %add3A_413 : i32 to index
      %swap3A_415 = tpu.vector_load %arg8[%swap3A_414] {strides = array<i32>} : memref<53264xi32, #tpu.memory_space<vmem>>, vector<16xi32>,
      tpu.vector_store %arg8[%swap3A_414], %broadcast_in_dim3A_3 {strides = array<i32>} : memref<53264xi32, #tpu.memory_space<vmem>>, vector<16xi32>,
      %add3A_416 = arith.constant 128 : i32
      %add3A_417 = arith.addi %mul3A_381, %add3A_416 : i32
      %swap3A_418 = arith.index_cast %add3A_417 : i32 to index
      %swap3A_419 = tpu.vector_load %arg8[%swap3A_418] {strides = array<i32>} : memref<53264xi32, #tpu.memory_space<vmem>>, vector<16xi32>,
      tpu.vector_store %arg8[%swap3A_418], %broadcast_in_dim3A_3 {strides = array<i32>} : memref<53264xi32, #tpu.memory_space<vmem>>, vector<16xi32>,
      %add3A_420 = arith.constant 144 : i32
      %add3A_421 = arith.addi %mul3A_381, %add3A_420 : i32
      %swap3A_422 = arith.index_cast %add3A_421 : i32 to index
      %swap3A_423 = tpu.vector_load %arg8[%swap3A_422] {strides = array<i32>} : memref<53264xi32, #tpu.memory_space<vmem>>, vector<16xi32>,
      tpu.vector_store %arg8[%swap3A_422], %broadcast_in_dim3A_3 {strides = array<i32>} : memref<53264xi32, #tpu.memory_space<vmem>>, vector<16xi32>,
      %add3A_424 = arith.constant 160 : i32
      %add3A_425 = arith.addi %mul3A_381, %add3A_424 : i32
      %swap3A_426 = arith.index_cast %add3A_425 : i32 to index
      %swap3A_427 = tpu.vector_load %arg8[%swap3A_426] {strides = array<i32>} : memref<53264xi32, #tpu.memory_space<vmem>>, vector<16xi32>,
      tpu.vector_store %arg8[%swap3A_426], %broadcast_in_dim3A_3 {strides = array<i32>} : memref<53264xi32, #tpu.memory_space<vmem>>, vector<16xi32>,
      %add3A_428 = arith.constant 176 : i32
      %add3A_429 = arith.addi %mul3A_381, %add3A_428 : i32
      %swap3A_430 = arith.index_cast %add3A_429 : i32 to index
      %swap3A_431 = tpu.vector_load %arg8[%swap3A_430] {strides = array<i32>} : memref<53264xi32, #tpu.memory_space<vmem>>, vector<16xi32>,
      tpu.vector_store %arg8[%swap3A_430], %broadcast_in_dim3A_3 {strides = array<i32>} : memref<53264xi32, #tpu.memory_space<vmem>>, vector<16xi32>,
      %add3A_432 = arith.constant 224 : i32
      %add3A_433 = arith.addi %add3A_432, %scan3A_18 : i32
      %add3A_434 = arith.addi %mul3A_2, %add3A_433 : i32
      %broadcast_in_dim3A_435 = vector.broadcast %add3A_434 : i32 to vector<16xi32>
      %gather3A_436 = tpu.vector_load_idx %arg5[%broadcast_in_dim3A_435] : memref<8192xf32, #tpu.memory_space<vmem>>[vector<16xi32>], vector<16xf32>,
      %gather3A_437 = tpu.vector_load_idx %arg6[%broadcast_in_dim3A_435] : memref<8192xf32, #tpu.memory_space<vmem>>[vector<16xi32>], vector<16xf32>,
      %gather3A_438 = tpu.vector_load_idx %arg7[%broadcast_in_dim3A_435] : memref<8192xf32, #tpu.memory_space<vmem>>[vector<16xi32>], vector<16xf32>,
      %mul3A_439 = arith.constant 208 : i32
      %mul3A_440 = arith.muli %add3A_433, %mul3A_439 : i32
      %add3A_441 = arith.constant 192 : i32
      %add3A_442 = arith.addi %mul3A_440, %add3A_441 : i32
      %add3A_443 = arith.constant 0 : i32
      %add3A_444 = arith.addi %mul3A_440, %add3A_443 : i32
      %swap3A_445 = arith.index_cast %add3A_444 : i32 to index
      %swap3A_446 = tpu.vector_load %arg8[%swap3A_445] {strides = array<i32>} : memref<53264xi32, #tpu.memory_space<vmem>>, vector<16xi32>,
      tpu.vector_store %arg8[%swap3A_445], %broadcast_in_dim3A_3 {strides = array<i32>} : memref<53264xi32, #tpu.memory_space<vmem>>, vector<16xi32>,
      %add3A_447 = arith.constant 16 : i32
      %add3A_448 = arith.addi %mul3A_440, %add3A_447 : i32
      %swap3A_449 = arith.index_cast %add3A_448 : i32 to index
      %swap3A_450 = tpu.vector_load %arg8[%swap3A_449] {strides = array<i32>} : memref<53264xi32, #tpu.memory_space<vmem>>, vector<16xi32>,
      tpu.vector_store %arg8[%swap3A_449], %broadcast_in_dim3A_3 {strides = array<i32>} : memref<53264xi32, #tpu.memory_space<vmem>>, vector<16xi32>,
      %add3A_451 = arith.constant 32 : i32
      %add3A_452 = arith.addi %mul3A_440, %add3A_451 : i32
      %swap3A_453 = arith.index_cast %add3A_452 : i32 to index
      %swap3A_454 = tpu.vector_load %arg8[%swap3A_453] {strides = array<i32>} : memref<53264xi32, #tpu.memory_space<vmem>>, vector<16xi32>,
      tpu.vector_store %arg8[%swap3A_453], %broadcast_in_dim3A_3 {strides = array<i32>} : memref<53264xi32, #tpu.memory_space<vmem>>, vector<16xi32>,
      %add3A_455 = arith.constant 48 : i32
      %add3A_456 = arith.addi %mul3A_440, %add3A_455 : i32
      %swap3A_457 = arith.index_cast %add3A_456 : i32 to index
      %swap3A_458 = tpu.vector_load %arg8[%swap3A_457] {strides = array<i32>} : memref<53264xi32, #tpu.memory_space<vmem>>, vector<16xi32>,
      tpu.vector_store %arg8[%swap3A_457], %broadcast_in_dim3A_3 {strides = array<i32>} : memref<53264xi32, #tpu.memory_space<vmem>>, vector<16xi32>,
      %add3A_459 = arith.constant 64 : i32
      %add3A_460 = arith.addi %mul3A_440, %add3A_459 : i32
      %swap3A_461 = arith.index_cast %add3A_460 : i32 to index
      %swap3A_462 = tpu.vector_load %arg8[%swap3A_461] {strides = array<i32>} : memref<53264xi32, #tpu.memory_space<vmem>>, vector<16xi32>,
      tpu.vector_store %arg8[%swap3A_461], %broadcast_in_dim3A_3 {strides = array<i32>} : memref<53264xi32, #tpu.memory_space<vmem>>, vector<16xi32>,
      %add3A_463 = arith.constant 80 : i32
      %add3A_464 = arith.addi %mul3A_440, %add3A_463 : i32
      %swap3A_465 = arith.index_cast %add3A_464 : i32 to index
      %swap3A_466 = tpu.vector_load %arg8[%swap3A_465] {strides = array<i32>} : memref<53264xi32, #tpu.memory_space<vmem>>, vector<16xi32>,
      tpu.vector_store %arg8[%swap3A_465], %broadcast_in_dim3A_3 {strides = array<i32>} : memref<53264xi32, #tpu.memory_space<vmem>>, vector<16xi32>,
      %add3A_467 = arith.constant 96 : i32
      %add3A_468 = arith.addi %mul3A_440, %add3A_467 : i32
      %swap3A_469 = arith.index_cast %add3A_468 : i32 to index
      %swap3A_470 = tpu.vector_load %arg8[%swap3A_469] {strides = array<i32>} : memref<53264xi32, #tpu.memory_space<vmem>>, vector<16xi32>,
      tpu.vector_store %arg8[%swap3A_469], %broadcast_in_dim3A_3 {strides = array<i32>} : memref<53264xi32, #tpu.memory_space<vmem>>, vector<16xi32>,
      %add3A_471 = arith.constant 112 : i32
      %add3A_472 = arith.addi %mul3A_440, %add3A_471 : i32
      %swap3A_473 = arith.index_cast %add3A_472 : i32 to index
      %swap3A_474 = tpu.vector_load %arg8[%swap3A_473] {strides = array<i32>} : memref<53264xi32, #tpu.memory_space<vmem>>, vector<16xi32>,
      tpu.vector_store %arg8[%swap3A_473], %broadcast_in_dim3A_3 {strides = array<i32>} : memref<53264xi32, #tpu.memory_space<vmem>>, vector<16xi32>,
      %add3A_475 = arith.constant 128 : i32
      %add3A_476 = arith.addi %mul3A_440, %add3A_475 : i32
      %swap3A_477 = arith.index_cast %add3A_476 : i32 to index
      %swap3A_478 = tpu.vector_load %arg8[%swap3A_477] {strides = array<i32>} : memref<53264xi32, #tpu.memory_space<vmem>>, vector<16xi32>,
      tpu.vector_store %arg8[%swap3A_477], %broadcast_in_dim3A_3 {strides = array<i32>} : memref<53264xi32, #tpu.memory_space<vmem>>, vector<16xi32>,
      %add3A_479 = arith.constant 144 : i32
      %add3A_480 = arith.addi %mul3A_440, %add3A_479 : i32
      %swap3A_481 = arith.index_cast %add3A_480 : i32 to index
      %swap3A_482 = tpu.vector_load %arg8[%swap3A_481] {strides = array<i32>} : memref<53264xi32, #tpu.memory_space<vmem>>, vector<16xi32>,
      tpu.vector_store %arg8[%swap3A_481], %broadcast_in_dim3A_3 {strides = array<i32>} : memref<53264xi32, #tpu.memory_space<vmem>>, vector<16xi32>,
      %add3A_483 = arith.constant 160 : i32
      %add3A_484 = arith.addi %mul3A_440, %add3A_483 : i32
      %swap3A_485 = arith.index_cast %add3A_484 : i32 to index
      %swap3A_486 = tpu.vector_load %arg8[%swap3A_485] {strides = array<i32>} : memref<53264xi32, #tpu.memory_space<vmem>>, vector<16xi32>,
      tpu.vector_store %arg8[%swap3A_485], %broadcast_in_dim3A_3 {strides = array<i32>} : memref<53264xi32, #tpu.memory_space<vmem>>, vector<16xi32>,
      %add3A_487 = arith.constant 176 : i32
      %add3A_488 = arith.addi %mul3A_440, %add3A_487 : i32
      %swap3A_489 = arith.index_cast %add3A_488 : i32 to index
      %swap3A_490 = tpu.vector_load %arg8[%swap3A_489] {strides = array<i32>} : memref<53264xi32, #tpu.memory_space<vmem>>, vector<16xi32>,
      tpu.vector_store %arg8[%swap3A_489], %broadcast_in_dim3A_3 {strides = array<i32>} : memref<53264xi32, #tpu.memory_space<vmem>>, vector<16xi32>,
      %broadcast_in_dim3A_491 = vector.broadcast %mul3A_27 : i32 to vector<16xi32>
      %broadcast_in_dim3A_492 = vector.broadcast %mul3A_86 : i32 to vector<16xi32>
      %broadcast_in_dim3A_493 = vector.broadcast %mul3A_145 : i32 to vector<16xi32>
      %broadcast_in_dim3A_494 = vector.broadcast %mul3A_204 : i32 to vector<16xi32>
      %broadcast_in_dim3A_495 = vector.broadcast %mul3A_263 : i32 to vector<16xi32>
      %broadcast_in_dim3A_496 = vector.broadcast %mul3A_322 : i32 to vector<16xi32>
      %broadcast_in_dim3A_497 = vector.broadcast %mul3A_381 : i32 to vector<16xi32>
      %broadcast_in_dim3A_498 = vector.broadcast %mul3A_440 : i32 to vector<16xi32>
      %scan3A_499 = arith.constant 0 : i32
      %scan3A_500 = arith.constant 256 : i32
      %scan3A_501 = arith.addi %scan3A_499, %scan3A_500 : i32
      %scan3A_502 = arith.constant 1 : i32
      %scan3A_503:9 = scf.for %scan3A_527 = %scan3A_499 to %scan3A_501 step %scan3A_502 iter_args(%scan3A_528 = %broadcast_in_dim3A_491, %scan3A_529 = %broadcast_in_dim3A_492, %scan3A_530 = %broadcast_in_dim3A_493, %scan3A_531 = %broadcast_in_dim3A_494, %scan3A_532 = %broadcast_in_dim3A_495, %scan3A_533 = %broadcast_in_dim3A_496, %scan3A_534 = %broadcast_in_dim3A_497, %scan3A_535 = %broadcast_in_dim3A_498, %scan3A_536 = %iota3A) -> (vector<16xi32>, vector<16xi32>, vector<16xi32>, vector<16xi32>, vector<16xi32>, vector<16xi32>, vector<16xi32>, vector<16xi32>, vector<16xi32>)  : i32 {
        %mul3A_537 = arith.constant 32 : i32
        %mul3A_538 = arith.muli %scan3A_527, %mul3A_537 : i32
        %add3A_539 = arith.constant 0 : i32
        %add3A_540 = arith.addi %mul3A_538, %add3A_539 : i32
        %get3A = arith.index_cast %add3A_540 : i32 to index
        %get3A_541 = tpu.vector_load %arg5[%get3A] {strides = array<i32>} : memref<8192xf32, #tpu.memory_space<vmem>>, vector<16xf32>,
        %get3A_542 = arith.index_cast %add3A_540 : i32 to index
        %get3A_543 = tpu.vector_load %arg6[%get3A_542] {strides = array<i32>} : memref<8192xf32, #tpu.memory_space<vmem>>, vector<16xf32>,
        %get3A_544 = arith.index_cast %add3A_540 : i32 to index
        %get3A_545 = tpu.vector_load %arg7[%get3A_544] {strides = array<i32>} : memref<8192xf32, #tpu.memory_space<vmem>>, vector<16xf32>,
        %sub3A_546 = arith.subf %get3A_541, %gather3A : vector<16xf32>
        %sub3A_547 = arith.subf %get3A_543, %gather3A_24 : vector<16xf32>
        %sub3A_548 = arith.subf %get3A_545, %gather3A_25 : vector<16xf32>
        %mul3A_549 = arith.mulf %sub3A_546, %sub3A_546 : vector<16xf32>
        %mul3A_550 = arith.mulf %sub3A_547, %sub3A_547 : vector<16xf32>
        %add3A_551 = arith.addf %mul3A_549, %mul3A_550 : vector<16xf32>
        %mul3A_552 = arith.mulf %sub3A_548, %sub3A_548 : vector<16xf32>
        %add3A_553 = arith.addf %add3A_551, %mul3A_552 : vector<16xf32>
        %le3A = arith.cmpf ole, %add3A_553, %broadcast_in_dim3A_5 : vector<16xf32>
        %ne3A = arith.cmpi ne, %scan3A_536, %broadcast_in_dim3A_23 : vector<16xi32>
        %and3A = arith.andi %le3A, %ne3A : vector<16xi1>
        %sub3A_554 = arith.subf %get3A_541, %gather3A_82 : vector<16xf32>
        %sub3A_555 = arith.subf %get3A_543, %gather3A_83 : vector<16xf32>
        %sub3A_556 = arith.subf %get3A_545, %gather3A_84 : vector<16xf32>
        %mul3A_557 = arith.mulf %sub3A_554, %sub3A_554 : vector<16xf32>
        %mul3A_558 = arith.mulf %sub3A_555, %sub3A_555 : vector<16xf32>
        %add3A_559 = arith.addf %mul3A_557, %mul3A_558 : vector<16xf32>
        %mul3A_560 = arith.mulf %sub3A_556, %sub3A_556 : vector<16xf32>
        %add3A_561 = arith.addf %add3A_559, %mul3A_560 : vector<16xf32>
        %le3A_562 = arith.cmpf ole, %add3A_561, %broadcast_in_dim3A_5 : vector<16xf32>
        %ne3A_563 = arith.cmpi ne, %scan3A_536, %broadcast_in_dim3A_81 : vector<16xi32>
        %and3A_564 = arith.andi %le3A_562, %ne3A_563 : vector<16xi1>
        %sub3A_565 = arith.subf %get3A_541, %gather3A_141 : vector<16xf32>
        %sub3A_566 = arith.subf %get3A_543, %gather3A_142 : vector<16xf32>
        %sub3A_567 = arith.subf %get3A_545, %gather3A_143 : vector<16xf32>
        %mul3A_568 = arith.mulf %sub3A_565, %sub3A_565 : vector<16xf32>
        %mul3A_569 = arith.mulf %sub3A_566, %sub3A_566 : vector<16xf32>
        %add3A_570 = arith.addf %mul3A_568, %mul3A_569 : vector<16xf32>
        %mul3A_571 = arith.mulf %sub3A_567, %sub3A_567 : vector<16xf32>
        %add3A_572 = arith.addf %add3A_570, %mul3A_571 : vector<16xf32>
        %le3A_573 = arith.cmpf ole, %add3A_572, %broadcast_in_dim3A_5 : vector<16xf32>
        %ne3A_574 = arith.cmpi ne, %scan3A_536, %broadcast_in_dim3A_140 : vector<16xi32>
        %and3A_575 = arith.andi %le3A_573, %ne3A_574 : vector<16xi1>
        %sub3A_576 = arith.subf %get3A_541, %gather3A_200 : vector<16xf32>
        %sub3A_577 = arith.subf %get3A_543, %gather3A_201 : vector<16xf32>
        %sub3A_578 = arith.subf %get3A_545, %gather3A_202 : vector<16xf32>
        %mul3A_579 = arith.mulf %sub3A_576, %sub3A_576 : vector<16xf32>
        %mul3A_580 = arith.mulf %sub3A_577, %sub3A_577 : vector<16xf32>
        %add3A_581 = arith.addf %mul3A_579, %mul3A_580 : vector<16xf32>
        %mul3A_582 = arith.mulf %sub3A_578, %sub3A_578 : vector<16xf32>
        %add3A_583 = arith.addf %add3A_581, %mul3A_582 : vector<16xf32>
        %le3A_584 = arith.cmpf ole, %add3A_583, %broadcast_in_dim3A_5 : vector<16xf32>
        %ne3A_585 = arith.cmpi ne, %scan3A_536, %broadcast_in_dim3A_199 : vector<16xi32>
        %and3A_586 = arith.andi %le3A_584, %ne3A_585 : vector<16xi1>
        %sub3A_587 = arith.subf %get3A_541, %gather3A_259 : vector<16xf32>
        %sub3A_588 = arith.subf %get3A_543, %gather3A_260 : vector<16xf32>
        %sub3A_589 = arith.subf %get3A_545, %gather3A_261 : vector<16xf32>
        %mul3A_590 = arith.mulf %sub3A_587, %sub3A_587 : vector<16xf32>
        %mul3A_591 = arith.mulf %sub3A_588, %sub3A_588 : vector<16xf32>
        %add3A_592 = arith.addf %mul3A_590, %mul3A_591 : vector<16xf32>
        %mul3A_593 = arith.mulf %sub3A_589, %sub3A_589 : vector<16xf32>
        %add3A_594 = arith.addf %add3A_592, %mul3A_593 : vector<16xf32>
        %le3A_595 = arith.cmpf ole, %add3A_594, %broadcast_in_dim3A_5 : vector<16xf32>
        %ne3A_596 = arith.cmpi ne, %scan3A_536, %broadcast_in_dim3A_258 : vector<16xi32>
        %and3A_597 = arith.andi %le3A_595, %ne3A_596 : vector<16xi1>
        %sub3A_598 = arith.subf %get3A_541, %gather3A_318 : vector<16xf32>
        %sub3A_599 = arith.subf %get3A_543, %gather3A_319 : vector<16xf32>
        %sub3A_600 = arith.subf %get3A_545, %gather3A_320 : vector<16xf32>
        %mul3A_601 = arith.mulf %sub3A_598, %sub3A_598 : vector<16xf32>
        %mul3A_602 = arith.mulf %sub3A_599, %sub3A_599 : vector<16xf32>
        %add3A_603 = arith.addf %mul3A_601, %mul3A_602 : vector<16xf32>
        %mul3A_604 = arith.mulf %sub3A_600, %sub3A_600 : vector<16xf32>
        %add3A_605 = arith.addf %add3A_603, %mul3A_604 : vector<16xf32>
        %le3A_606 = arith.cmpf ole, %add3A_605, %broadcast_in_dim3A_5 : vector<16xf32>
        %ne3A_607 = arith.cmpi ne, %scan3A_536, %broadcast_in_dim3A_317 : vector<16xi32>
        %and3A_608 = arith.andi %le3A_606, %ne3A_607 : vector<16xi1>
        %sub3A_609 = arith.subf %get3A_541, %gather3A_377 : vector<16xf32>
        %sub3A_610 = arith.subf %get3A_543, %gather3A_378 : vector<16xf32>
        %sub3A_611 = arith.subf %get3A_545, %gather3A_379 : vector<16xf32>
        %mul3A_612 = arith.mulf %sub3A_609, %sub3A_609 : vector<16xf32>
        %mul3A_613 = arith.mulf %sub3A_610, %sub3A_610 : vector<16xf32>
        %add3A_614 = arith.addf %mul3A_612, %mul3A_613 : vector<16xf32>
        %mul3A_615 = arith.mulf %sub3A_611, %sub3A_611 : vector<16xf32>
        %add3A_616 = arith.addf %add3A_614, %mul3A_615 : vector<16xf32>
        %le3A_617 = arith.cmpf ole, %add3A_616, %broadcast_in_dim3A_5 : vector<16xf32>
        %ne3A_618 = arith.cmpi ne, %scan3A_536, %broadcast_in_dim3A_376 : vector<16xi32>
        %and3A_619 = arith.andi %le3A_617, %ne3A_618 : vector<16xi1>
        %sub3A_620 = arith.subf %get3A_541, %gather3A_436 : vector<16xf32>
        %sub3A_621 = arith.subf %get3A_543, %gather3A_437 : vector<16xf32>
        %sub3A_622 = arith.subf %get3A_545, %gather3A_438 : vector<16xf32>
        %mul3A_623 = arith.mulf %sub3A_620, %sub3A_620 : vector<16xf32>
        %mul3A_624 = arith.mulf %sub3A_621, %sub3A_621 : vector<16xf32>
        %add3A_625 = arith.addf %mul3A_623, %mul3A_624 : vector<16xf32>
        %mul3A_626 = arith.mulf %sub3A_622, %sub3A_622 : vector<16xf32>
        %add3A_627 = arith.addf %add3A_625, %mul3A_626 : vector<16xf32>
        %le3A_628 = arith.cmpf ole, %add3A_627, %broadcast_in_dim3A_5 : vector<16xf32>
        %ne3A_629 = arith.cmpi ne, %scan3A_536, %broadcast_in_dim3A_435 : vector<16xi32>
        %and3A_630 = arith.andi %le3A_628, %ne3A_629 : vector<16xi1>
        %slice3A = vector.extract_strided_slice %scan3A_528 {offsets = [0], sizes = [1], strides = [1]} : vector<16xi32> to vector<1xi32>
        %squeeze3A = vector.extract %slice3A[0] : i32 from vector<1xi32>
        %min3A = arith.minsi %squeeze3A, %add3A_29 : i32
        %swap3A_631 = arith.index_cast %min3A : i32 to index
        %swap3A_632 = tpu.vector_load %arg8[%swap3A_631] masked %and3A {strides = array<i32>} : memref<53264xi32, #tpu.memory_space<vmem>>, vector<16xi32>, vector<16xi1>
        tpu.vector_store %arg8[%swap3A_631], %scan3A_536 masked %and3A {strides = array<i32>} : memref<53264xi32, #tpu.memory_space<vmem>>, vector<16xi32>, vector<16xi1>
        %slice3A_633 = vector.extract_strided_slice %scan3A_529 {offsets = [0], sizes = [1], strides = [1]} : vector<16xi32> to vector<1xi32>
        %squeeze3A_634 = vector.extract %slice3A_633[0] : i32 from vector<1xi32>
        %min3A_635 = arith.minsi %squeeze3A_634, %add3A_88 : i32
        %swap3A_636 = arith.index_cast %min3A_635 : i32 to index
        %swap3A_637 = tpu.vector_load %arg8[%swap3A_636] masked %and3A_564 {strides = array<i32>} : memref<53264xi32, #tpu.memory_space<vmem>>, vector<16xi32>, vector<16xi1>
        tpu.vector_store %arg8[%swap3A_636], %scan3A_536 masked %and3A_564 {strides = array<i32>} : memref<53264xi32, #tpu.memory_space<vmem>>, vector<16xi32>, vector<16xi1>
        %slice3A_638 = vector.extract_strided_slice %scan3A_530 {offsets = [0], sizes = [1], strides = [1]} : vector<16xi32> to vector<1xi32>
        %squeeze3A_639 = vector.extract %slice3A_638[0] : i32 from vector<1xi32>
        %min3A_640 = arith.minsi %squeeze3A_639, %add3A_147 : i32
        %swap3A_641 = arith.index_cast %min3A_640 : i32 to index
        %swap3A_642 = tpu.vector_load %arg8[%swap3A_641] masked %and3A_575 {strides = array<i32>} : memref<53264xi32, #tpu.memory_space<vmem>>, vector<16xi32>, vector<16xi1>
        tpu.vector_store %arg8[%swap3A_641], %scan3A_536 masked %and3A_575 {strides = array<i32>} : memref<53264xi32, #tpu.memory_space<vmem>>, vector<16xi32>, vector<16xi1>
        %slice3A_643 = vector.extract_strided_slice %scan3A_531 {offsets = [0], sizes = [1], strides = [1]} : vector<16xi32> to vector<1xi32>
        %squeeze3A_644 = vector.extract %slice3A_643[0] : i32 from vector<1xi32>
        %min3A_645 = arith.minsi %squeeze3A_644, %add3A_206 : i32
        %swap3A_646 = arith.index_cast %min3A_645 : i32 to index
        %swap3A_647 = tpu.vector_load %arg8[%swap3A_646] masked %and3A_586 {strides = array<i32>} : memref<53264xi32, #tpu.memory_space<vmem>>, vector<16xi32>, vector<16xi1>
        tpu.vector_store %arg8[%swap3A_646], %scan3A_536 masked %and3A_586 {strides = array<i32>} : memref<53264xi32, #tpu.memory_space<vmem>>, vector<16xi32>, vector<16xi1>
        %slice3A_648 = vector.extract_strided_slice %scan3A_532 {offsets = [0], sizes = [1], strides = [1]} : vector<16xi32> to vector<1xi32>
        %squeeze3A_649 = vector.extract %slice3A_648[0] : i32 from vector<1xi32>
        %min3A_650 = arith.minsi %squeeze3A_649, %add3A_265 : i32
        %swap3A_651 = arith.index_cast %min3A_650 : i32 to index
        %swap3A_652 = tpu.vector_load %arg8[%swap3A_651] masked %and3A_597 {strides = array<i32>} : memref<53264xi32, #tpu.memory_space<vmem>>, vector<16xi32>, vector<16xi1>
        tpu.vector_store %arg8[%swap3A_651], %scan3A_536 masked %and3A_597 {strides = array<i32>} : memref<53264xi32, #tpu.memory_space<vmem>>, vector<16xi32>, vector<16xi1>
        %slice3A_653 = vector.extract_strided_slice %scan3A_533 {offsets = [0], sizes = [1], strides = [1]} : vector<16xi32> to vector<1xi32>
        %squeeze3A_654 = vector.extract %slice3A_653[0] : i32 from vector<1xi32>
        %min3A_655 = arith.minsi %squeeze3A_654, %add3A_324 : i32
        %swap3A_656 = arith.index_cast %min3A_655 : i32 to index
        %swap3A_657 = tpu.vector_load %arg8[%swap3A_656] masked %and3A_608 {strides = array<i32>} : memref<53264xi32, #tpu.memory_space<vmem>>, vector<16xi32>, vector<16xi1>
        tpu.vector_store %arg8[%swap3A_656], %scan3A_536 masked %and3A_608 {strides = array<i32>} : memref<53264xi32, #tpu.memory_space<vmem>>, vector<16xi32>, vector<16xi1>
        %slice3A_658 = vector.extract_strided_slice %scan3A_534 {offsets = [0], sizes = [1], strides = [1]} : vector<16xi32> to vector<1xi32>
        %squeeze3A_659 = vector.extract %slice3A_658[0] : i32 from vector<1xi32>
        %min3A_660 = arith.minsi %squeeze3A_659, %add3A_383 : i32
        %swap3A_661 = arith.index_cast %min3A_660 : i32 to index
        %swap3A_662 = tpu.vector_load %arg8[%swap3A_661] masked %and3A_619 {strides = array<i32>} : memref<53264xi32, #tpu.memory_space<vmem>>, vector<16xi32>, vector<16xi1>
        tpu.vector_store %arg8[%swap3A_661], %scan3A_536 masked %and3A_619 {strides = array<i32>} : memref<53264xi32, #tpu.memory_space<vmem>>, vector<16xi32>, vector<16xi1>
        %slice3A_663 = vector.extract_strided_slice %scan3A_535 {offsets = [0], sizes = [1], strides = [1]} : vector<16xi32> to vector<1xi32>
        %squeeze3A_664 = vector.extract %slice3A_663[0] : i32 from vector<1xi32>
        %min3A_665 = arith.minsi %squeeze3A_664, %add3A_442 : i32
        %swap3A_666 = arith.index_cast %min3A_665 : i32 to index
        %swap3A_667 = tpu.vector_load %arg8[%swap3A_666] masked %and3A_630 {strides = array<i32>} : memref<53264xi32, #tpu.memory_space<vmem>>, vector<16xi32>, vector<16xi1>
        tpu.vector_store %arg8[%swap3A_666], %scan3A_536 masked %and3A_630 {strides = array<i32>} : memref<53264xi32, #tpu.memory_space<vmem>>, vector<16xi32>, vector<16xi1>
        %all_reduce_population_count3A = tpu.all_reduce %and3A {dim = 0 : i64, kind = #tpu.reduction_kind<sum>} : vector<16xi1> -> vector<16xi32>
        %add3A_668 = arith.addi %scan3A_528, %all_reduce_population_count3A : vector<16xi32>
        %all_reduce_population_count3A_669 = tpu.all_reduce %and3A_564 {dim = 0 : i64, kind = #tpu.reduction_kind<sum>} : vector<16xi1> -> vector<16xi32>
        %add3A_670 = arith.addi %scan3A_529, %all_reduce_population_count3A_669 : vector<16xi32>
        %all_reduce_population_count3A_671 = tpu.all_reduce %and3A_575 {dim = 0 : i64, kind = #tpu.reduction_kind<sum>} : vector<16xi1> -> vector<16xi32>
        %add3A_672 = arith.addi %scan3A_530, %all_reduce_population_count3A_671 : vector<16xi32>
        %all_reduce_population_count3A_673 = tpu.all_reduce %and3A_586 {dim = 0 : i64, kind = #tpu.reduction_kind<sum>} : vector<16xi1> -> vector<16xi32>
        %add3A_674 = arith.addi %scan3A_531, %all_reduce_population_count3A_673 : vector<16xi32>
        %all_reduce_population_count3A_675 = tpu.all_reduce %and3A_597 {dim = 0 : i64, kind = #tpu.reduction_kind<sum>} : vector<16xi1> -> vector<16xi32>
        %add3A_676 = arith.addi %scan3A_532, %all_reduce_population_count3A_675 : vector<16xi32>
        %all_reduce_population_count3A_677 = tpu.all_reduce %and3A_608 {dim = 0 : i64, kind = #tpu.reduction_kind<sum>} : vector<16xi1> -> vector<16xi32>
        %add3A_678 = arith.addi %scan3A_533, %all_reduce_population_count3A_677 : vector<16xi32>
        %all_reduce_population_count3A_679 = tpu.all_reduce %and3A_619 {dim = 0 : i64, kind = #tpu.reduction_kind<sum>} : vector<16xi1> -> vector<16xi32>
        %add3A_680 = arith.addi %scan3A_534, %all_reduce_population_count3A_679 : vector<16xi32>
        %all_reduce_population_count3A_681 = tpu.all_reduce %and3A_630 {dim = 0 : i64, kind = #tpu.reduction_kind<sum>} : vector<16xi1> -> vector<16xi32>
        %add3A_682 = arith.addi %scan3A_535, %all_reduce_population_count3A_681 : vector<16xi32>
        %add3A_683 = arith.constant 16 : i32
        %add3A_684 = vector.broadcast %add3A_683 : i32 to vector<16xi32>
        %add3A_685 = arith.addi %scan3A_536, %add3A_684 : vector<16xi32>
        %add3A_686 = arith.constant 16 : i32
        %add3A_687 = arith.addi %mul3A_538, %add3A_686 : i32
        %get3A_688 = arith.index_cast %add3A_687 : i32 to index
        %get3A_689 = tpu.vector_load %arg5[%get3A_688] {strides = array<i32>} : memref<8192xf32, #tpu.memory_space<vmem>>, vector<16xf32>,
        %get3A_690 = arith.index_cast %add3A_687 : i32 to index
        %get3A_691 = tpu.vector_load %arg6[%get3A_690] {strides = array<i32>} : memref<8192xf32, #tpu.memory_space<vmem>>, vector<16xf32>,
        %get3A_692 = arith.index_cast %add3A_687 : i32 to index
        %get3A_693 = tpu.vector_load %arg7[%get3A_692] {strides = array<i32>} : memref<8192xf32, #tpu.memory_space<vmem>>, vector<16xf32>,
        %sub3A_694 = arith.subf %get3A_689, %gather3A : vector<16xf32>
        %sub3A_695 = arith.subf %get3A_691, %gather3A_24 : vector<16xf32>
        %sub3A_696 = arith.subf %get3A_693, %gather3A_25 : vector<16xf32>
        %mul3A_697 = arith.mulf %sub3A_694, %sub3A_694 : vector<16xf32>
        %mul3A_698 = arith.mulf %sub3A_695, %sub3A_695 : vector<16xf32>
        %add3A_699 = arith.addf %mul3A_697, %mul3A_698 : vector<16xf32>
        %mul3A_700 = arith.mulf %sub3A_696, %sub3A_696 : vector<16xf32>
        %add3A_701 = arith.addf %add3A_699, %mul3A_700 : vector<16xf32>
        %le3A_702 = arith.cmpf ole, %add3A_701, %broadcast_in_dim3A_5 : vector<16xf32>
        %ne3A_703 = arith.cmpi ne, %add3A_685, %broadcast_in_dim3A_23 : vector<16xi32>
        %and3A_704 = arith.andi %le3A_702, %ne3A_703 : vector<16xi1>
        %sub3A_705 = arith.subf %get3A_689, %gather3A_82 : vector<16xf32>
        %sub3A_706 = arith.subf %get3A_691, %gather3A_83 : vector<16xf32>
        %sub3A_707 = arith.subf %get3A_693, %gather3A_84 : vector<16xf32>
        %mul3A_708 = arith.mulf %sub3A_705, %sub3A_705 : vector<16xf32>
        %mul3A_709 = arith.mulf %sub3A_706, %sub3A_706 : vector<16xf32>
        %add3A_710 = arith.addf %mul3A_708, %mul3A_709 : vector<16xf32>
        %mul3A_711 = arith.mulf %sub3A_707, %sub3A_707 : vector<16xf32>
        %add3A_712 = arith.addf %add3A_710, %mul3A_711 : vector<16xf32>
        %le3A_713 = arith.cmpf ole, %add3A_712, %broadcast_in_dim3A_5 : vector<16xf32>
        %ne3A_714 = arith.cmpi ne, %add3A_685, %broadcast_in_dim3A_81 : vector<16xi32>
        %and3A_715 = arith.andi %le3A_713, %ne3A_714 : vector<16xi1>
        %sub3A_716 = arith.subf %get3A_689, %gather3A_141 : vector<16xf32>
        %sub3A_717 = arith.subf %get3A_691, %gather3A_142 : vector<16xf32>
        %sub3A_718 = arith.subf %get3A_693, %gather3A_143 : vector<16xf32>
        %mul3A_719 = arith.mulf %sub3A_716, %sub3A_716 : vector<16xf32>
        %mul3A_720 = arith.mulf %sub3A_717, %sub3A_717 : vector<16xf32>
        %add3A_721 = arith.addf %mul3A_719, %mul3A_720 : vector<16xf32>
        %mul3A_722 = arith.mulf %sub3A_718, %sub3A_718 : vector<16xf32>
        %add3A_723 = arith.addf %add3A_721, %mul3A_722 : vector<16xf32>
        %le3A_724 = arith.cmpf ole, %add3A_723, %broadcast_in_dim3A_5 : vector<16xf32>
        %ne3A_725 = arith.cmpi ne, %add3A_685, %broadcast_in_dim3A_140 : vector<16xi32>
        %and3A_726 = arith.andi %le3A_724, %ne3A_725 : vector<16xi1>
        %sub3A_727 = arith.subf %get3A_689, %gather3A_200 : vector<16xf32>
        %sub3A_728 = arith.subf %get3A_691, %gather3A_201 : vector<16xf32>
        %sub3A_729 = arith.subf %get3A_693, %gather3A_202 : vector<16xf32>
        %mul3A_730 = arith.mulf %sub3A_727, %sub3A_727 : vector<16xf32>
        %mul3A_731 = arith.mulf %sub3A_728, %sub3A_728 : vector<16xf32>
        %add3A_732 = arith.addf %mul3A_730, %mul3A_731 : vector<16xf32>
        %mul3A_733 = arith.mulf %sub3A_729, %sub3A_729 : vector<16xf32>
        %add3A_734 = arith.addf %add3A_732, %mul3A_733 : vector<16xf32>
        %le3A_735 = arith.cmpf ole, %add3A_734, %broadcast_in_dim3A_5 : vector<16xf32>
        %ne3A_736 = arith.cmpi ne, %add3A_685, %broadcast_in_dim3A_199 : vector<16xi32>
        %and3A_737 = arith.andi %le3A_735, %ne3A_736 : vector<16xi1>
        %sub3A_738 = arith.subf %get3A_689, %gather3A_259 : vector<16xf32>
        %sub3A_739 = arith.subf %get3A_691, %gather3A_260 : vector<16xf32>
        %sub3A_740 = arith.subf %get3A_693, %gather3A_261 : vector<16xf32>
        %mul3A_741 = arith.mulf %sub3A_738, %sub3A_738 : vector<16xf32>
        %mul3A_742 = arith.mulf %sub3A_739, %sub3A_739 : vector<16xf32>
        %add3A_743 = arith.addf %mul3A_741, %mul3A_742 : vector<16xf32>
        %mul3A_744 = arith.mulf %sub3A_740, %sub3A_740 : vector<16xf32>
        %add3A_745 = arith.addf %add3A_743, %mul3A_744 : vector<16xf32>
        %le3A_746 = arith.cmpf ole, %add3A_745, %broadcast_in_dim3A_5 : vector<16xf32>
        %ne3A_747 = arith.cmpi ne, %add3A_685, %broadcast_in_dim3A_258 : vector<16xi32>
        %and3A_748 = arith.andi %le3A_746, %ne3A_747 : vector<16xi1>
        %sub3A_749 = arith.subf %get3A_689, %gather3A_318 : vector<16xf32>
        %sub3A_750 = arith.subf %get3A_691, %gather3A_319 : vector<16xf32>
        %sub3A_751 = arith.subf %get3A_693, %gather3A_320 : vector<16xf32>
        %mul3A_752 = arith.mulf %sub3A_749, %sub3A_749 : vector<16xf32>
        %mul3A_753 = arith.mulf %sub3A_750, %sub3A_750 : vector<16xf32>
        %add3A_754 = arith.addf %mul3A_752, %mul3A_753 : vector<16xf32>
        %mul3A_755 = arith.mulf %sub3A_751, %sub3A_751 : vector<16xf32>
        %add3A_756 = arith.addf %add3A_754, %mul3A_755 : vector<16xf32>
        %le3A_757 = arith.cmpf ole, %add3A_756, %broadcast_in_dim3A_5 : vector<16xf32>
        %ne3A_758 = arith.cmpi ne, %add3A_685, %broadcast_in_dim3A_317 : vector<16xi32>
        %and3A_759 = arith.andi %le3A_757, %ne3A_758 : vector<16xi1>
        %sub3A_760 = arith.subf %get3A_689, %gather3A_377 : vector<16xf32>
        %sub3A_761 = arith.subf %get3A_691, %gather3A_378 : vector<16xf32>
        %sub3A_762 = arith.subf %get3A_693, %gather3A_379 : vector<16xf32>
        %mul3A_763 = arith.mulf %sub3A_760, %sub3A_760 : vector<16xf32>
        %mul3A_764 = arith.mulf %sub3A_761, %sub3A_761 : vector<16xf32>
        %add3A_765 = arith.addf %mul3A_763, %mul3A_764 : vector<16xf32>
        %mul3A_766 = arith.mulf %sub3A_762, %sub3A_762 : vector<16xf32>
        %add3A_767 = arith.addf %add3A_765, %mul3A_766 : vector<16xf32>
        %le3A_768 = arith.cmpf ole, %add3A_767, %broadcast_in_dim3A_5 : vector<16xf32>
        %ne3A_769 = arith.cmpi ne, %add3A_685, %broadcast_in_dim3A_376 : vector<16xi32>
        %and3A_770 = arith.andi %le3A_768, %ne3A_769 : vector<16xi1>
        %sub3A_771 = arith.subf %get3A_689, %gather3A_436 : vector<16xf32>
        %sub3A_772 = arith.subf %get3A_691, %gather3A_437 : vector<16xf32>
        %sub3A_773 = arith.subf %get3A_693, %gather3A_438 : vector<16xf32>
        %mul3A_774 = arith.mulf %sub3A_771, %sub3A_771 : vector<16xf32>
        %mul3A_775 = arith.mulf %sub3A_772, %sub3A_772 : vector<16xf32>
        %add3A_776 = arith.addf %mul3A_774, %mul3A_775 : vector<16xf32>
        %mul3A_777 = arith.mulf %sub3A_773, %sub3A_773 : vector<16xf32>
        %add3A_778 = arith.addf %add3A_776, %mul3A_777 : vector<16xf32>
        %le3A_779 = arith.cmpf ole, %add3A_778, %broadcast_in_dim3A_5 : vector<16xf32>
        %ne3A_780 = arith.cmpi ne, %add3A_685, %broadcast_in_dim3A_435 : vector<16xi32>
        %and3A_781 = arith.andi %le3A_779, %ne3A_780 : vector<16xi1>
        %slice3A_782 = vector.extract_strided_slice %add3A_668 {offsets = [0], sizes = [1], strides = [1]} : vector<16xi32> to vector<1xi32>
        %squeeze3A_783 = vector.extract %slice3A_782[0] : i32 from vector<1xi32>
        %min3A_784 = arith.minsi %squeeze3A_783, %add3A_29 : i32
        %swap3A_785 = arith.index_cast %min3A_784 : i32 to index
        %swap3A_786 = tpu.vector_load %arg8[%swap3A_785] masked %and3A_704 {strides = array<i32>} : memref<53264xi32, #tpu.memory_space<vmem>>, vector<16xi32>, vector<16xi1>
        tpu.vector_store %arg8[%swap3A_785], %add3A_685 masked %and3A_704 {strides = array<i32>} : memref<53264xi32, #tpu.memory_space<vmem>>, vector<16xi32>, vector<16xi1>
        %slice3A_787 = vector.extract_strided_slice %add3A_670 {offsets = [0], sizes = [1], strides = [1]} : vector<16xi32> to vector<1xi32>
        %squeeze3A_788 = vector.extract %slice3A_787[0] : i32 from vector<1xi32>
        %min3A_789 = arith.minsi %squeeze3A_788, %add3A_88 : i32
        %swap3A_790 = arith.index_cast %min3A_789 : i32 to index
        %swap3A_791 = tpu.vector_load %arg8[%swap3A_790] masked %and3A_715 {strides = array<i32>} : memref<53264xi32, #tpu.memory_space<vmem>>, vector<16xi32>, vector<16xi1>
        tpu.vector_store %arg8[%swap3A_790], %add3A_685 masked %and3A_715 {strides = array<i32>} : memref<53264xi32, #tpu.memory_space<vmem>>, vector<16xi32>, vector<16xi1>
        %slice3A_792 = vector.extract_strided_slice %add3A_672 {offsets = [0], sizes = [1], strides = [1]} : vector<16xi32> to vector<1xi32>
        %squeeze3A_793 = vector.extract %slice3A_792[0] : i32 from vector<1xi32>
        %min3A_794 = arith.minsi %squeeze3A_793, %add3A_147 : i32
        %swap3A_795 = arith.index_cast %min3A_794 : i32 to index
        %swap3A_796 = tpu.vector_load %arg8[%swap3A_795] masked %and3A_726 {strides = array<i32>} : memref<53264xi32, #tpu.memory_space<vmem>>, vector<16xi32>, vector<16xi1>
        tpu.vector_store %arg8[%swap3A_795], %add3A_685 masked %and3A_726 {strides = array<i32>} : memref<53264xi32, #tpu.memory_space<vmem>>, vector<16xi32>, vector<16xi1>
        %slice3A_797 = vector.extract_strided_slice %add3A_674 {offsets = [0], sizes = [1], strides = [1]} : vector<16xi32> to vector<1xi32>
        %squeeze3A_798 = vector.extract %slice3A_797[0] : i32 from vector<1xi32>
        %min3A_799 = arith.minsi %squeeze3A_798, %add3A_206 : i32
        %swap3A_800 = arith.index_cast %min3A_799 : i32 to index
        %swap3A_801 = tpu.vector_load %arg8[%swap3A_800] masked %and3A_737 {strides = array<i32>} : memref<53264xi32, #tpu.memory_space<vmem>>, vector<16xi32>, vector<16xi1>
        tpu.vector_store %arg8[%swap3A_800], %add3A_685 masked %and3A_737 {strides = array<i32>} : memref<53264xi32, #tpu.memory_space<vmem>>, vector<16xi32>, vector<16xi1>
        %slice3A_802 = vector.extract_strided_slice %add3A_676 {offsets = [0], sizes = [1], strides = [1]} : vector<16xi32> to vector<1xi32>
        %squeeze3A_803 = vector.extract %slice3A_802[0] : i32 from vector<1xi32>
        %min3A_804 = arith.minsi %squeeze3A_803, %add3A_265 : i32
        %swap3A_805 = arith.index_cast %min3A_804 : i32 to index
        %swap3A_806 = tpu.vector_load %arg8[%swap3A_805] masked %and3A_748 {strides = array<i32>} : memref<53264xi32, #tpu.memory_space<vmem>>, vector<16xi32>, vector<16xi1>
        tpu.vector_store %arg8[%swap3A_805], %add3A_685 masked %and3A_748 {strides = array<i32>} : memref<53264xi32, #tpu.memory_space<vmem>>, vector<16xi32>, vector<16xi1>
        %slice3A_807 = vector.extract_strided_slice %add3A_678 {offsets = [0], sizes = [1], strides = [1]} : vector<16xi32> to vector<1xi32>
        %squeeze3A_808 = vector.extract %slice3A_807[0] : i32 from vector<1xi32>
        %min3A_809 = arith.minsi %squeeze3A_808, %add3A_324 : i32
        %swap3A_810 = arith.index_cast %min3A_809 : i32 to index
        %swap3A_811 = tpu.vector_load %arg8[%swap3A_810] masked %and3A_759 {strides = array<i32>} : memref<53264xi32, #tpu.memory_space<vmem>>, vector<16xi32>, vector<16xi1>
        tpu.vector_store %arg8[%swap3A_810], %add3A_685 masked %and3A_759 {strides = array<i32>} : memref<53264xi32, #tpu.memory_space<vmem>>, vector<16xi32>, vector<16xi1>
        %slice3A_812 = vector.extract_strided_slice %add3A_680 {offsets = [0], sizes = [1], strides = [1]} : vector<16xi32> to vector<1xi32>
        %squeeze3A_813 = vector.extract %slice3A_812[0] : i32 from vector<1xi32>
        %min3A_814 = arith.minsi %squeeze3A_813, %add3A_383 : i32
        %swap3A_815 = arith.index_cast %min3A_814 : i32 to index
        %swap3A_816 = tpu.vector_load %arg8[%swap3A_815] masked %and3A_770 {strides = array<i32>} : memref<53264xi32, #tpu.memory_space<vmem>>, vector<16xi32>, vector<16xi1>
        tpu.vector_store %arg8[%swap3A_815], %add3A_685 masked %and3A_770 {strides = array<i32>} : memref<53264xi32, #tpu.memory_space<vmem>>, vector<16xi32>, vector<16xi1>
        %slice3A_817 = vector.extract_strided_slice %add3A_682 {offsets = [0], sizes = [1], strides = [1]} : vector<16xi32> to vector<1xi32>
        %squeeze3A_818 = vector.extract %slice3A_817[0] : i32 from vector<1xi32>
        %min3A_819 = arith.minsi %squeeze3A_818, %add3A_442 : i32
        %swap3A_820 = arith.index_cast %min3A_819 : i32 to index
        %swap3A_821 = tpu.vector_load %arg8[%swap3A_820] masked %and3A_781 {strides = array<i32>} : memref<53264xi32, #tpu.memory_space<vmem>>, vector<16xi32>, vector<16xi1>
        tpu.vector_store %arg8[%swap3A_820], %add3A_685 masked %and3A_781 {strides = array<i32>} : memref<53264xi32, #tpu.memory_space<vmem>>, vector<16xi32>, vector<16xi1>
        %all_reduce_population_count3A_822 = tpu.all_reduce %and3A_704 {dim = 0 : i64, kind = #tpu.reduction_kind<sum>} : vector<16xi1> -> vector<16xi32>
        %add3A_823 = arith.addi %add3A_668, %all_reduce_population_count3A_822 : vector<16xi32>
        %all_reduce_population_count3A_824 = tpu.all_reduce %and3A_715 {dim = 0 : i64, kind = #tpu.reduction_kind<sum>} : vector<16xi1> -> vector<16xi32>
        %add3A_825 = arith.addi %add3A_670, %all_reduce_population_count3A_824 : vector<16xi32>
        %all_reduce_population_count3A_826 = tpu.all_reduce %and3A_726 {dim = 0 : i64, kind = #tpu.reduction_kind<sum>} : vector<16xi1> -> vector<16xi32>
        %add3A_827 = arith.addi %add3A_672, %all_reduce_population_count3A_826 : vector<16xi32>
        %all_reduce_population_count3A_828 = tpu.all_reduce %and3A_737 {dim = 0 : i64, kind = #tpu.reduction_kind<sum>} : vector<16xi1> -> vector<16xi32>
        %add3A_829 = arith.addi %add3A_674, %all_reduce_population_count3A_828 : vector<16xi32>
        %all_reduce_population_count3A_830 = tpu.all_reduce %and3A_748 {dim = 0 : i64, kind = #tpu.reduction_kind<sum>} : vector<16xi1> -> vector<16xi32>
        %add3A_831 = arith.addi %add3A_676, %all_reduce_population_count3A_830 : vector<16xi32>
        %all_reduce_population_count3A_832 = tpu.all_reduce %and3A_759 {dim = 0 : i64, kind = #tpu.reduction_kind<sum>} : vector<16xi1> -> vector<16xi32>
        %add3A_833 = arith.addi %add3A_678, %all_reduce_population_count3A_832 : vector<16xi32>
        %all_reduce_population_count3A_834 = tpu.all_reduce %and3A_770 {dim = 0 : i64, kind = #tpu.reduction_kind<sum>} : vector<16xi1> -> vector<16xi32>
        %add3A_835 = arith.addi %add3A_680, %all_reduce_population_count3A_834 : vector<16xi32>
        %all_reduce_population_count3A_836 = tpu.all_reduce %and3A_781 {dim = 0 : i64, kind = #tpu.reduction_kind<sum>} : vector<16xi1> -> vector<16xi32>
        %add3A_837 = arith.addi %add3A_682, %all_reduce_population_count3A_836 : vector<16xi32>
        %add3A_838 = arith.constant 16 : i32
        %add3A_839 = vector.broadcast %add3A_838 : i32 to vector<16xi32>
        %add3A_840 = arith.addi %add3A_685, %add3A_839 : vector<16xi32>
        scf.yield %add3A_823, %add3A_825, %add3A_827, %add3A_829, %add3A_831, %add3A_833, %add3A_835, %add3A_837, %add3A_840 : vector<16xi32>, vector<16xi32>, vector<16xi32>, vector<16xi32>, vector<16xi32>, vector<16xi32>, vector<16xi32>, vector<16xi32>, vector<16xi32>
      }
      %scan3A_504 = arith.constant 256 : i32
      %sub3A = vector.broadcast %mul3A_27 : i32 to vector<16xi32>
      %sub3A_505 = arith.subi %scan3A_503#0, %sub3A : vector<16xi32>
      %max3A = arith.maxsi %scan3A_19, %sub3A_505 : vector<16xi32>
      %sub3A_506 = vector.broadcast %mul3A_86 : i32 to vector<16xi32>
      %sub3A_507 = arith.subi %scan3A_503#1, %sub3A_506 : vector<16xi32>
      %max3A_508 = arith.maxsi %max3A, %sub3A_507 : vector<16xi32>
      %sub3A_509 = vector.broadcast %mul3A_145 : i32 to vector<16xi32>
      %sub3A_510 = arith.subi %scan3A_503#2, %sub3A_509 : vector<16xi32>
      %max3A_511 = arith.maxsi %max3A_508, %sub3A_510 : vector<16xi32>
      %sub3A_512 = vector.broadcast %mul3A_204 : i32 to vector<16xi32>
      %sub3A_513 = arith.subi %scan3A_503#3, %sub3A_512 : vector<16xi32>
      %max3A_514 = arith.maxsi %max3A_511, %sub3A_513 : vector<16xi32>
      %sub3A_515 = vector.broadcast %mul3A_263 : i32 to vector<16xi32>
      %sub3A_516 = arith.subi %scan3A_503#4, %sub3A_515 : vector<16xi32>
      %max3A_517 = arith.maxsi %max3A_514, %sub3A_516 : vector<16xi32>
      %sub3A_518 = vector.broadcast %mul3A_322 : i32 to vector<16xi32>
      %sub3A_519 = arith.subi %scan3A_503#5, %sub3A_518 : vector<16xi32>
      %max3A_520 = arith.maxsi %max3A_517, %sub3A_519 : vector<16xi32>
      %sub3A_521 = vector.broadcast %mul3A_381 : i32 to vector<16xi32>
      %sub3A_522 = arith.subi %scan3A_503#6, %sub3A_521 : vector<16xi32>
      %max3A_523 = arith.maxsi %max3A_520, %sub3A_522 : vector<16xi32>
      %sub3A_524 = vector.broadcast %mul3A_440 : i32 to vector<16xi32>
      %sub3A_525 = arith.subi %scan3A_503#7, %sub3A_524 : vector<16xi32>
      %max3A_526 = arith.maxsi %max3A_523, %sub3A_525 : vector<16xi32>
      scf.yield %max3A_526 : vector<16xi32>
    }
    %scan3A_12 = arith.constant 32 : i32
    %mul3A_13 = arith.constant 53248 : i32
    %mul3A_14 = arith.muli %add3A, %mul3A_13 : i32
    "tpu.region"() ({
      %run_scoped3A = tpu.sem_alloc : memref<!tpu.dma_semaphore, #tpu.memory_space<semaphore_mem>>
      %dma_start3A = arith.constant 0 : i32
      %dma_start3A_18 = tpu.memref_slice %arg8[%dma_start3A] : memref<53264xi32, #tpu.memory_space<vmem>> -> memref<53248xi32, #tpu.memory_space<vmem>>
      %dma_start3A_19 = tpu.memref_slice %arg3[%mul3A_14] : memref<1703936xi32, #tpu.memory_space<hbm>> -> memref<53248xi32, #tpu.memory_space<hbm>>
      %dma_start3A_20 = tpu.memref_slice %arg3[%mul3A_14] : memref<1703936xi32, #tpu.memory_space<hbm>> -> memref<53248xi32, #tpu.memory_space<hbm>>
      %dma_start3A_21 = arith.constant 0 : i32
      %dma_start3A_22 = tpu.memref_slice %arg8[%dma_start3A_21] : memref<53264xi32, #tpu.memory_space<vmem>> -> memref<53248xi32, #tpu.memory_space<vmem>>
      tpu.enqueue_dma source(%dma_start3A_22 : memref<53248xi32, #tpu.memory_space<vmem>>) target(%dma_start3A_20 : memref<53248xi32, #tpu.memory_space<hbm>>) target_semaphore(%run_scoped3A : memref<!tpu.dma_semaphore, #tpu.memory_space<semaphore_mem>>)
      %dma_wait3A = arith.constant 0 : i32
      %dma_wait3A_23 = tpu.memref_slice %arg8[%dma_wait3A] : memref<53264xi32, #tpu.memory_space<vmem>> -> memref<53248xi32, #tpu.memory_space<vmem>>
      %dma_wait3A_24 = tpu.memref_slice %arg3[%mul3A_14] : memref<1703936xi32, #tpu.memory_space<hbm>> -> memref<53248xi32, #tpu.memory_space<hbm>>
      %dma_wait3A_25 = tpu.memref_slice %arg3[%mul3A_14] : memref<1703936xi32, #tpu.memory_space<hbm>> -> memref<53248xi32, #tpu.memory_space<hbm>>
      %dma_wait3A_26 = arith.constant 0 : i32
      %dma_wait3A_27 = tpu.memref_slice %arg8[%dma_wait3A_26] : memref<53264xi32, #tpu.memory_space<vmem>> -> memref<53248xi32, #tpu.memory_space<vmem>>
      tpu.wait_dma2 semaphore(%run_scoped3A : memref<!tpu.dma_semaphore, #tpu.memory_space<semaphore_mem>>) src(%dma_wait3A_27 : memref<53248xi32, #tpu.memory_space<vmem>>) dst(%dma_wait3A_25 : memref<53248xi32, #tpu.memory_space<hbm>>)
      tpu.yield
    }) : () -> ()
    %swap3A = arith.constant 0 : index
    %swap3A_15 = tpu.vector_load %arg9[%swap3A] {strides = array<i32>} : memref<16xi32, #tpu.memory_space<vmem>>, vector<16xi32>,
    tpu.vector_store %arg9[%swap3A], %scan3A_11 {strides = array<i32>} : memref<16xi32, #tpu.memory_space<vmem>>, vector<16xi32>,
    %mul3A_16 = arith.constant 16 : i32
    %mul3A_17 = arith.muli %add3A, %mul3A_16 : i32
    "tpu.region"() ({
      %run_scoped3A = tpu.sem_alloc : memref<!tpu.dma_semaphore, #tpu.memory_space<semaphore_mem>>
      %dma_start3A = tpu.memref_slice %arg4[%mul3A_17] : memref<512xi32, #tpu.memory_space<hbm>> -> memref<16xi32, #tpu.memory_space<hbm>>
      %dma_start3A_18 = tpu.memref_slice %arg4[%mul3A_17] : memref<512xi32, #tpu.memory_space<hbm>> -> memref<16xi32, #tpu.memory_space<hbm>>
      tpu.enqueue_dma source(%arg9 : memref<16xi32, #tpu.memory_space<vmem>>) target(%dma_start3A_18 : memref<16xi32, #tpu.memory_space<hbm>>) target_semaphore(%run_scoped3A : memref<!tpu.dma_semaphore, #tpu.memory_space<semaphore_mem>>)
      %dma_wait3A = tpu.memref_slice %arg4[%mul3A_17] : memref<512xi32, #tpu.memory_space<hbm>> -> memref<16xi32, #tpu.memory_space<hbm>>
      %dma_wait3A_19 = tpu.memref_slice %arg4[%mul3A_17] : memref<512xi32, #tpu.memory_space<hbm>> -> memref<16xi32, #tpu.memory_space<hbm>>
      tpu.wait_dma2 semaphore(%run_scoped3A : memref<!tpu.dma_semaphore, #tpu.memory_space<semaphore_mem>>) src(%arg9 : memref<16xi32, #tpu.memory_space<vmem>>) dst(%dma_wait3A_19 : memref<16xi32, #tpu.memory_space<hbm>>)
      tpu.yield
    }) : () -> ()
    return
  }
}

</mosaic_0001>

<sc_bundles>
// kernel: _neigh.3.cloned.1.call-start
scs
__scs_entry_jumppad:
0x0: {  	(pc) =	sbr.rel $0x88, $3  }
0x1: {  	(tag) =	ssettag $0x0;
	lr =	simm.s32 $0x1  }
0x2: {  	[smem:$0x3FA0] =	sst lr;
	_ =	strace $0xD0000000  }
0x3: {  	_ = 	snop  }
0x4: {  	_ = 	snop  }
0x5: {  	_ = 	snop  }
0x6: {  	_ = 	snop  }
0x7: {  	_ = 	snop  }
__scs_overlays_trampoline_lowered:
0x8: {  	[smem:$0x3FAF] =	sst s0  }
0x9: {  	[smem:$0x3FB0] =	sst s1  }
0xa: {  	[smem:$0x3FB1] =	sst s2  }
0xb: {  	[smem:$0x3FB2] =	sst s3  }
0xc: {  	[smem:$0x3FB3] =	sst s4  }
0xd: {  	[smem:$0x3FB4] =	sst s5  }
0xe: {  	[smem:$0x3FB5] =	sst s6  }
0xf: {  	[smem:$0x3FB6] =	sst s7  }
0x10: {  	[smem:$0x3FB7] =	sst s8  }
0x11: {  	[smem:$0x3FB8] =	sst s9;
	s0 =	simm.s32 @!p0 $0x0  }
0x12: {  	s1 =	sld [smem:$0x3F9E];
	s0 =	simm.s32 @p0 $0x1  }
0x13: {  	[smem:$0x3FB9] =	sst s0;
	s0 =	simm.s32 @!p1 $0x0  }
0x14: {  	s2 =	sld [smem:$0x3F9D];
	s0 =	simm.s32 @p1 $0x1  }
0x15: {  	[smem:$0x3FBA] =	sst s0;
	s0 =	simm.s32 @!p2 $0x0  }
0x16: {  	s3 =	sld [smem:$0x3FDB];
	s0 =	simm.s32 @p2 $0x1  }
0x17: {  	s4 =	simm.s32 $0x1BF5;
	[smem:$0x3FBC] =	sst s0  }
0x18: {  	s0 =	sld [smem:$0x3F9F];
	_ =	swait.ge [sflag:s4], $0x0  }
0x19: {  	s7 =	sld [smem:$0x3FA0]  }
0x1a: {  	s8 =	sadd.s32 $0xFFFFE003, lr  }
0x1b: {  	s9 =	sadd.s32 $0xFFFFFEF7, lr;
	s5 =	simm.s32 $0xFFFFFFFF;
	p2 =	slt.u32 s8, $0xFFFFF086  }
0x1c: {  	p1 =	slt.u32 s9, $0xF7A;
	s5 =	simm.s32 @!p2 $0x0  }
0x1d: {  	s5 =	simm.s32 @p1 $0x1;
	p0 =	seq.s32 s7, s2  }
0x1e: {  	s7 =	smul.u32 @!p0 $0xF7A, s2;
	p2 =	seq.s32 @!p0 s5, $0x0  }
0x1f: {  	s9 =	smul.u32 $0xF7A, s1;
	s8 =	simm.s32 @!p0 $0x1BF5;
	p2 =	por !p2, p0  }
0x20: {  	[sflag:s8] =	ssyncset.s32 @!p0 $0xFFFFF086;
	s6 =	sadd.s32 @!p0 s3, s7;
	s7 =	simm.s32 @!p0 $0x108  }
0x21: {  	s3 =	sadd.s32 s3, s9;
	s6 =	sadd.s32 @!p0 $0x88, s6;
	s7 =	simm.s32 @p2 $0x1082  }
0x22: {  	[simem:s7], [sflag:s8] =	dma.local @!p0 [hbm:s6], $0xF7A  }
0x23: {  	s9 =	sor.u32 $0xD0000000, s2;
	s6 =	simm.s32 $0x108;
	_ =	swait.ge @!p0 [sflag:s8], $0x0  }
0x24: {  	s3 =	sadd.s32 $0x88, s3;
	s6 =	simm.s32 @!p1 $0x1082;
	[sflag:s4] =	ssyncset.s32 $0xFFFFF086  }
0x25: {  	[simem:s6], [sflag:s4] =	dma.local [hbm:s3], $0xF7A  }
0x26: {  	[smem:$0x3FA0] =	sst s1;
	(tag) =	ssettag s2;
	_ =	strace s9  }
0x27: {  	s1 =	sld [smem:$0x3FB0]  }
0x28: {  	s2 =	sld [smem:$0x3FB1]  }
0x29: {  	s4 =	sld [smem:$0x3FB3]  }
0x2a: {  	p0 =	seq.s32 s5, $0x0;
	s5 =	sld [smem:$0x3FB4]  }
0x2b: {  	s6 =	sld [smem:$0x3FB5]  }
0x2c: {  	s7 =	sld [smem:$0x3FB6]  }
0x2d: {  	s3 =	simm.s32 $0x108;
	s8 =	sld [smem:$0x3FB7]  }
0x2e: {  	s3 =	simm.s32 @!p0 $0x1082;
	s9 =	sld [smem:$0x3FB8]  }
0x2f: {  	lr =	sadd.s32 s0, s3;
	s0 =	sld [smem:$0x3FAF]  }
0x30: {  	s3 =	sld [smem:$0x3FB2]  }
0x31: {  	[smem:$0x3FBB] =	sst s10  }
0x32: {  	s10 =	sld [smem:$0x3FB9];
	_ =	sdelay $0x3  }
0x33: {  	p0 =	seq.s32 s10, $0x1;
	s10 =	sld [smem:$0x3FBB];
	_ =	sdelay $0x3  }
0x34: {  	[smem:$0x3FBB] =	sst s10  }
0x35: {  	s10 =	sld [smem:$0x3FBA];
	_ =	sdelay $0x3  }
0x36: {  	p1 =	seq.s32 s10, $0x1;
	s10 =	sld [smem:$0x3FBB];
	_ =	sdelay $0x3  }
0x37: {  	[smem:$0x3FBB] =	sst s10  }
0x38: {  	s10 =	sld [smem:$0x3FBC]  }
0x39: {  	_ = 	snop;
	(pc) =	sbr.ind lr, $3  }
0x3a: {  	_ = 	snop  }
0x3b: {  	_ = 	snop  }
0x3c: {  	p2 =	seq.s32 s10, $0x1;
	s10 =	sld [smem:$0x3FBB]  }
0x3d: {  	_ =	shalt  }
0x3e: {  	_ =	shalt  }
0x3f: {  	_ =	shalt  }
0x40: {  	_ =	shalt  }
0x41: {  	_ =	shalt  }
0x42: {  	_ =	shalt  }
0x43: {  	_ =	shalt  }
0x44: {  	_ =	shalt  }
0x45: {  	_ =	shalt  }
0x46: {  	_ =	shalt  }
0x47: {  	_ =	shalt  }
0x48: {  	_ =	shalt  }
0x49: {  	_ =	shalt  }
0x4a: {  	_ =	shalt  }
0x4b: {  	_ =	shalt  }
0x4c: {  	_ =	shalt  }
0x4d: {  	_ =	shalt  }
0x4e: {  	_ =	shalt  }
0x4f: {  	_ =	shalt  }
0x50: {  	_ =	shalt  }
0x51: {  	_ =	shalt  }
0x52: {  	_ =	shalt  }
0x53: {  	_ =	shalt  }
0x54: {  	_ =	shalt  }
0x55: {  	_ =	shalt  }
0x56: {  	_ =	shalt  }
0x57: {  	_ =	shalt  }
0x58: {  	_ =	shalt  }
0x59: {  	_ =	shalt  }
0x5a: {  	_ =	shalt  }
0x5b: {  	_ =	shalt  }
0x5c: {  	_ =	shalt  }
0x5d: {  	_ =	shalt  }
0x5e: {  	_ =	shalt  }
0x5f: {  	_ =	shalt  }
0x60: {  	_ =	shalt  }
0x61: {  	_ =	shalt  }
0x62: {  	_ =	shalt  }
0x63: {  	_ =	shalt  }
0x64: {  	_ =	shalt  }
0x65: {  	_ =	shalt  }
0x66: {  	_ =	shalt  }
0x67: {  	_ =	shalt  }
0x68: {  	_ =	shalt  }
0x69: {  	_ =	shalt  }
0x6a: {  	_ =	shalt  }
0x6b: {  	_ =	shalt  }
0x6c: {  	_ =	shalt  }
0x6d: {  	_ =	shalt  }
0x6e: {  	_ =	shalt  }
0x6f: {  	_ =	shalt  }
0x70: {  	_ =	shalt  }
0x71: {  	_ =	shalt  }
0x72: {  	_ =	shalt  }
0x73: {  	_ =	shalt  }
0x74: {  	_ =	shalt  }
0x75: {  	_ =	shalt  }
0x76: {  	_ =	shalt  }
0x77: {  	_ =	shalt  }
0x78: {  	_ =	shalt  }
0x79: {  	_ =	shalt  }
0x7a: {  	_ =	shalt  }
0x7b: {  	_ =	shalt  }
0x7c: {  	_ =	shalt  }
0x7d: {  	_ =	shalt  }
0x7e: {  	_ =	shalt  }
0x7f: {  	_ =	shalt  }
0x80: {  	_ =	shalt  }
0x81: {  	_ =	shalt  }
0x82: {  	_ =	shalt  }
0x83: {  	_ =	shalt  }
0x84: {  	_ =	shalt  }
0x85: {  	_ =	shalt  }
0x86: {  	_ =	shalt  }
0x87: {  	_ =	shalt  }
.Lfunc_end0:
.L_simem_size_0:
called_computation_lowered:
.L_overlay_start_0:
0x88: {  	s2 =	sld [smem:$0x3FD9]  }
0x89: {  	s3 =	sld [smem:$0x3FFE];
	_ =	sdelay $0x1  }
0x8a: {  	s1 =	srdreg.scid  }
0x8b: {  	s0 =	sand.u32 $0x1, s1  }
0x8c: {  	s15 =	sshll.u32 s0, $0xA;
	s2 =	sadd.s32 s3, s2  }
0x8d: {  	s2 =	sadd.s32 s2, s15  }
0x8e: {  	[smem:$0x3FC7] =	sst s2  }
0x8f: {  	_ = 	snop  }
0x90: {  	s2 =	sld [smem:$0x3FD0];
	_ =	sdelay $0x2  }
0x91: {  	s4 =	simm.s32 $0xA;
	s5 =	simm.s32 $0x10;
	s16 =	sld [smem:$0x3FC9]  }
0x92: {  	[smem:s5], [sflag:s4] =	dma.local [hbm:s2], $0x1  }
0x93: {  	_ =	swait.eq [sflag:s4], $0x1  }
0x94: {  	[sflag:s4] =	ssyncset.done $0x0  }
0x95: {  	s17 =	sld [smem:$0x10];
	[sflag:s4] =	ssyncadd.s32 $0xFFFFFFFF  }
0x96: {  	s18 =	sld [smem:$0x11];
	(tm) =	ssettm $0x1  }
0x97: {  	s19 =	sld [smem:$0x3FFB];
	_ =	sdelay $0x3  }
0x98: {  	_ =	strace s19  }
0x99: {  	s5 =	sld [smem:$0x3FFC];
	_ =	sdelay $0x3  }
0x9a: {  	_ =	strace s5  }
0x9b: {  	s5 =	sld [smem:$0x3FFD];
	_ =	sdelay $0x3  }
0x9c: {  	_ =	strace s5  }
0x9d: {  	_ =	strace $0x8FFFFFFF  }
0x9e: {  	s20 =	sld [smem:$0x3FDB];
	_ =	sdelay $0x1  }
0x9f: {  	s6 =	simm.s32 $_scs_section_size  }
0xa0: {  	s7 =	simm.s32 $_size__tile_overlayer_lowered;
	s8 =	simm.s32 $_tile_overlayer_lowered  }
0xa1: {  	s23 =	simm.s32 $0x1BFF;
	s22 =	sshll.u32 s8, $0x1;
	s5 =	sadd.s32 s6, s20  }
0xa2: {  	s9 =	simm.s32 $0x0;
	s21 =	sshll.u32 s7, $0x1;
	s7 =	sadd.s32 s22, s5  }
0xa3: {  	[timem:s9], [sflag:s23] =	dma.local [hbm:s7], s21  }
0xa4: {  	_ =	swait.ge [sflag:s23], s21  }
0xa5: {  	s6 =	ssub.s32 $0x0, s21;
	[sflag:s23] =	ssyncset.done $0x0  }
0xa6: {  	[sflag:s23] =	ssyncadd.s32 s6;
	_ =	sdelay $0x1  }
0xa7: {  	s24 =	simm.s32 $0x1B8B  }
0xa8: {  	_ =	swait.ge [sflag:s24], $0x1  }
0xa9: {  	[sflag:s24] =	ssyncset.done $0x0  }
0xaa: {  	s25 =	simm.s32 $0x1B8E;
	[sflag:s24] =	ssyncadd.s32 $0xFFFFFFFF  }
0xab: {  	s26 =	simm.s32 $execute0_lowered;
	[smem:$0x3FD2] =	sst s25  }
0xac: {  	s6 =	sshll.u32 s26, $0x1;
	_ =	strace $0x80000046;
	[dreg:$0x1] =	wrdreg $0xFFFFFFFF  }
0xad: {  	s28 =	simm.s32 $_size_execute0_lowered;
	s5 =	sadd.s32 s5, s6;
	[dreg:$0x0] =	wrdreg $0x0  }
0xae: {  	s6 =	sshll.u32 s28, $0x1;
	[dreg:$0x2] =	wrdreg s5  }
0xaf: {  	[dreg:$0x3] =	wrdreg s6  }
0xb0: {  	[dreg:$0x4] =	wrdreg $0xC0  }
0xb1: {  	_ =	task [dreg:s9], $0x5FFFF  }
0xb2: {  	[dreg:$0x1] =	wrdreg $0xFFFFFFFF  }
0xb3: {  	[dreg:$0x0] =	wrdreg $0x60  }
0xb4: {  	[dreg:$0x2] =	wrdreg s16  }
0xb5: {  	[dreg:$0x3] =	wrdreg s17  }
0xb6: {  	[dreg:$0x4] =	wrdreg s18  }
0xb7: {  	[dreg:$0x5] =	wrdreg $0x9  }
0xb8: {  	_ =	task.clear_ibuf [dreg:s9], $0x6FFFF;
	_ =	strace $0x90000046  }
0xb9: {  	s29 =	simm.s32 $0x9;
	_ =	strace $0x80000048  }
0xba: {  	_ =	swait.ge [sflag:s29], $0x1  }
0xbb: {  	[sflag:s29] =	ssyncadd.s32 $0xFFFFFFFF  }
0xbc: {  	_ =	strace $0x90000048  }
0xbd: {  	_ =	sfence  }
0xbe: {  	s30 =	sld [smem:$0x0];
	_ =	sdelay $0x2  }
0xbf: {  	s31 =	sshll.u32 s1, $0xD;
	s1 =	sshrl.u32 s1, $0x2  }
0xc0: {  	s3 =	sand.u32 $0x4000, s31;
	s1 =	sadd.s32 s1, s30  }
0xc1: {  	s0 =	sor.u32 s3, s0;
	s1 =	sshll.u32 s1, $0x11  }
0xc2: {  	s0 =	sor.u32 s1, s0  }
0xc3: {  	s0 =	sadd.s32 $0x8F2B, s0  }
0xc4: {  	[sflag:s0] =	ssyncadd.remote.s32 $0x1  }
0xc5: {  	_ =	sfence.sel $0xFFFF  }
0xc6: {  	[dreg:$0x0] =	wrdreg $0xFFFFFFFF;
	(pc) =	sbr.abs _section_cstart, $3  }
0xc7: {  	[dreg:$0x1] =	wrdreg $0xFFFFFFFF  }
0xc8: {  	_ =	task.clear_ibuf [dreg:s9], $0x2FFFF;
	_ =	strace $0x9FFFFFFF  }
0xc9: {  	(tm) =	ssettm $0x7FFFFFFF  }
tec
execute0_lowered:
.L_overlay_start_1:
0x0: {  	(tag) =	ssettag $0x1  }
0x1: {  	s1 =	rddreg [dreg:$0x0]  }
0x2: {  	s7 =	rddreg [dreg:$0x1]  }
0x3: {  	s8 =	rddreg [dreg:$0x2]  }
0x4: {  	s0 =	rddreg [dreg:$0x3];
	s3 =	simm.s32 $0x0  }
0x5: {  	s2 =	srdreg.scid;
	s12 =	simm.s32 $0x4000;
	s13 =	simm.s32 $0x6000  }
0x6: {  	s14 =	simm.s32 $0x13080;
	s15 =	simm.s32 $0x0;
	s4 =	sand.u32 $0x1, s2  }
0x7: {  	s2 =	stileid.u32;
	s5 =	ssub.s32 $0x2, s4;
	s4 =	sshll.u32 s4, $0x4  }
0x8: {  	[smem:$0x7FF] =	sst s3;
	s6 =	sshrl.u32 s5, $0x1;
	s9 =	sor.u32 s2, s4  }
0x9: {  	_ =	strace $0x80000047;
	s10 =	ssub.s32 s5, s6;
	s4 =	sshll.u32 s9, $0x8  }
0xa: {  	s11 =	smul.u32 $0x1A00, s9;
	s5 =	sadd.s32 $0x400, s1;
	s9 =	sshll.u32 s9, $0x1  }
0xb: {  	s6 =	sadd.s32 $0x800, s1;
	s8 =	sadd.s32 s8, s9;
	s9 =	smax.u32 s10, $0x1  }
0xc: {  	v0 =	vimm.s32 $0xFFFFFFFF;
	s10 =	simm.s32 $0x1;
	s7 =	sadd.s32 s7, s11;
	s11 =	simm.s32 $0x2000  }
.LBB2_1:
0xd: {  	[tilespmem:s3], [sflag:$0x1] =	stream.linear.gather [hbm4b:s1+s3], $0x2000, $0x38;
	[tilespmem:$0x13100] =	vst v63  }
0xe: {  	_ =	swait.ge [sflag:s10], $0x2000  }
0xf: {  	[sflag:s10] =	ssyncset.done $0x0  }
0x10: {  	[sflag:s10] =	ssyncadd.s32 $0xFFFFE000  }
0x11: {  	[tilespmem:s11], [sflag:$0x1] =	stream.linear.gather [hbm4b:s5+s3], $0x2000, $0x38;
	[tilespmem:$0x13100] =	vst v63  }
0x12: {  	_ =	swait.ge [sflag:s10], $0x2000  }
0x13: {  	[sflag:s10] =	ssyncset.done $0x0  }
0x14: {  	[sflag:s10] =	ssyncadd.s32 $0xFFFFE000  }
0x15: {  	[tilespmem:s12], [sflag:$0x1] =	stream.linear.gather [hbm4b:s6+s3], $0x2000, $0x38;
	[tilespmem:$0x13100] =	vst v63  }
0x16: {  	_ =	swait.ge [sflag:s10], $0x2000  }
0x17: {  	[sflag:s10] =	ssyncset.done $0x0  }
0x18: {  	v1 =	vimm.s32 $0x0;
	s16 =	simm.s32 $0x0;
	[sflag:s10] =	ssyncadd.s32 $0xFFFFE000  }
.LBB2_2:
0x19: {  	s17 =	sor.u32 s4, s16  }
0x1a: {  	v2 =	vmov s17;
	_ =	sdelay $0x3  }
0x1b: {  	s17 =	simm.s32 $0x0  }
0x1c: {  	s18 =	smul.u32 $0xD0, s16;
	v3 =	vld.idx.msk [tilespmem:v2+s17+$0x0], $0xffff  }
0x1d: {  	v4 =	vld.idx.msk [tilespmem:v2+s11+$0x0], $0xffff  }
0x1e: {  	v5 =	vld.idx.msk [tilespmem:v2+s12+$0x0], $0xffff;
	[tilespmem:s18+$0x6000] =	vst v0  }
0x1f: {  	[tilespmem:s18+$0x6010] =	vst v0  }
0x20: {  	[tilespmem:s18+$0x6020] =	vst v0  }
0x21: {  	[tilespmem:s18+$0x6030] =	vst v0  }
0x22: {  	[tilespmem:s18+$0x6040] =	vst v0  }
0x23: {  	s19 =	sor.u32 $0x20, s16;
	[tilespmem:s18+$0x6050] =	vst v0  }
0x24: {  	s20 =	sor.u32 s4, s19;
	[tilespmem:s18+$0x6060] =	vst v0  }
0x25: {  	s21 =	sand.u32 $0x1FF0, s18;
	v6 =	vmov s20;
	[tilespmem:s18+$0x6070] =	vst v0  }
0x26: {  	[tilespmem:s21+$0x6080] =	vst v0  }
0x27: {  	[tilespmem:s18+$0x6090] =	vst v0  }
0x28: {  	[tilespmem:s18+$0x60A0] =	vst v0  }
0x29: {  	[tilespmem:s18+$0x60B0] =	vst v0  }
0x2a: {  	s19 =	smul.u32 $0xD0, s19;
	v7 =	vld.idx.msk [tilespmem:v6+s17+$0x0], $0xffff  }
0x2b: {  	v8 =	vld.idx.msk [tilespmem:v6+s11+$0x0], $0xffff  }
0x2c: {  	v9 =	vld.idx.msk [tilespmem:v6+s12+$0x0], $0xffff;
	[tilespmem:s19+$0x6000] =	vst v0  }
0x2d: {  	[tilespmem:s19+$0x6010] =	vst v0  }
0x2e: {  	[tilespmem:s19+$0x6020] =	vst v0  }
0x2f: {  	[tilespmem:s19+$0x6030] =	vst v0  }
0x30: {  	[tilespmem:s19+$0x6040] =	vst v0  }
0x31: {  	s31 =	sor.u32 $0x40, s16;
	[tilespmem:s19+$0x6050] =	vst v0  }
0x32: {  	s23 =	sor.u32 s4, s31;
	[tilespmem:s19+$0x6060] =	vst v0  }
0x33: {  	v10 =	vmov s23;
	s22 =	sand.u32 $0x3FF0, s19;
	[tilespmem:s19+$0x6070] =	vst v0  }
0x34: {  	[tilespmem:s22+$0x6080] =	vst v0  }
0x35: {  	[tilespmem:s19+$0x6090] =	vst v0  }
0x36: {  	[tilespmem:s19+$0x60A0] =	vst v0  }
0x37: {  	[tilespmem:s19+$0x60B0] =	vst v0  }
0x38: {  	s20 =	smul.u32 $0xD0, s31;
	v11 =	vld.idx.msk [tilespmem:v10+s17+$0x0], $0xffff  }
0x39: {  	v12 =	vld.idx.msk [tilespmem:v10+s11+$0x0], $0xffff  }
0x3a: {  	v13 =	vld.idx.msk [tilespmem:v10+s12+$0x0], $0xffff;
	[tilespmem:s20+$0x6000] =	vst v0  }
0x3b: {  	[tilespmem:s20+$0x6010] =	vst v0  }
0x3c: {  	[tilespmem:s20+$0x6020] =	vst v0  }
0x3d: {  	[tilespmem:s20+$0x6030] =	vst v0  }
0x3e: {  	[tilespmem:s20+$0x6040] =	vst v0  }
0x3f: {  	s24 =	sor.u32 $0x60, s16;
	[tilespmem:s20+$0x6050] =	vst v0  }
0x40: {  	s25 =	sor.u32 s4, s24;
	[tilespmem:s20+$0x6060] =	vst v0  }
0x41: {  	v14 =	vmov s25;
	s23 =	sand.u32 $0x7FF0, s20;
	[tilespmem:s20+$0x6070] =	vst v0  }
0x42: {  	[tilespmem:s23+$0x6080] =	vst v0  }
0x43: {  	[tilespmem:s20+$0x6090] =	vst v0  }
0x44: {  	[tilespmem:s20+$0x60A0] =	vst v0  }
0x45: {  	[tilespmem:s20+$0x60B0] =	vst v0  }
0x46: {  	s21 =	smul.u32 $0xD0, s24;
	v15 =	vld.idx.msk [tilespmem:v14+s17+$0x0], $0xffff  }
0x47: {  	v16 =	vld.idx.msk [tilespmem:v14+s11+$0x0], $0xffff  }
0x48: {  	v17 =	vld.idx.msk [tilespmem:v14+s12+$0x0], $0xffff;
	[tilespmem:s21+$0x6000] =	vst v0  }
0x49: {  	[tilespmem:s21+$0x6010] =	vst v0  }
0x4a: {  	[tilespmem:s21+$0x6020] =	vst v0  }
0x4b: {  	[tilespmem:s21+$0x6030] =	vst v0  }
0x4c: {  	[tilespmem:s21+$0x6040] =	vst v0  }
0x4d: {  	s26 =	sor.u32 $0x80, s16;
	[tilespmem:s21+$0x6050] =	vst v0  }
0x4e: {  	s28 =	sor.u32 s4, s26;
	[tilespmem:s21+$0x6060] =	vst v0  }
0x4f: {  	v18 =	vmov s28;
	s24 =	sand.u32 $0x7FF0, s21;
	[tilespmem:s21+$0x6070] =	vst v0  }
0x50: {  	[tilespmem:s24+$0x6080] =	vst v0  }
0x51: {  	[tilespmem:s21+$0x6090] =	vst v0  }
0x52: {  	[tilespmem:s21+$0x60A0] =	vst v0  }
0x53: {  	[tilespmem:s21+$0x60B0] =	vst v0  }
0x54: {  	s22 =	smul.u32 $0xD0, s26;
	v19 =	vld.idx.msk [tilespmem:v18+s17+$0x0], $0xffff  }
0x55: {  	v20 =	vld.idx.msk [tilespmem:v18+s11+$0x0], $0xffff  }
0x56: {  	v21 =	vld.idx.msk [tilespmem:v18+s12+$0x0], $0xffff;
	[tilespmem:s22+$0x6000] =	vst v0  }
0x57: {  	[tilespmem:s22+$0x6010] =	vst v0  }
0x58: {  	[tilespmem:s22+$0x6020] =	vst v0  }
0x59: {  	[tilespmem:s22+$0x6030] =	vst v0  }
0x5a: {  	[tilespmem:s22+$0x6040] =	vst v0  }
0x5b: {  	s29 =	sor.u32 $0xA0, s16;
	[tilespmem:s22+$0x6050] =	vst v0  }
0x5c: {  	s30 =	sor.u32 s4, s29;
	[tilespmem:s22+$0x6060] =	vst v0  }
0x5d: {  	v22 =	vmov s30;
	s25 =	sand.u32 $0xFFF0, s22;
	[tilespmem:s22+$0x6070] =	vst v0  }
0x5e: {  	[tilespmem:s25+$0x6080] =	vst v0  }
0x5f: {  	[tilespmem:s22+$0x6090] =	vst v0  }
0x60: {  	[tilespmem:s22+$0x60A0] =	vst v0  }
0x61: {  	[tilespmem:s22+$0x60B0] =	vst v0  }
0x62: {  	s23 =	smul.u32 $0xD0, s29;
	v23 =	vld.idx.msk [tilespmem:v22+s17+$0x0], $0xffff  }
0x63: {  	v24 =	vld.idx.msk [tilespmem:v22+s11+$0x0], $0xffff  }
0x64: {  	v25 =	vld.idx.msk [tilespmem:v22+s12+$0x0], $0xffff;
	[tilespmem:s23+$0x6000] =	vst v0  }
0x65: {  	[tilespmem:s23+$0x6010] =	vst v0  }
0x66: {  	[tilespmem:s23+$0x6020] =	vst v0  }
0x67: {  	[tilespmem:s23+$0x6030] =	vst v0  }
0x68: {  	[tilespmem:s23+$0x6040] =	vst v0  }
0x69: {  	s31 =	sor.u32 $0xC0, s16;
	[tilespmem:s23+$0x6050] =	vst v0  }
0x6a: {  	s28 =	sor.u32 s4, s31;
	[tilespmem:s23+$0x6060] =	vst v0  }
0x6b: {  	v26 =	vmov s28;
	s26 =	sand.u32 $0xFFF0, s23;
	[tilespmem:s23+$0x6070] =	vst v0  }
0x6c: {  	[tilespmem:s26+$0x6080] =	vst v0  }
0x6d: {  	[tilespmem:s23+$0x6090] =	vst v0  }
0x6e: {  	[tilespmem:s23+$0x60A0] =	vst v0  }
0x6f: {  	[tilespmem:s23+$0x60B0] =	vst v0  }
0x70: {  	s24 =	smul.u32 $0xD0, s31;
	v27 =	vld.idx.msk [tilespmem:v26+s17+$0x0], $0xffff  }
0x71: {  	v28 =	vld.idx.msk [tilespmem:v26+s11+$0x0], $0xffff  }
0x72: {  	v29 =	vld.idx.msk [tilespmem:v26+s12+$0x0], $0xffff;
	[tilespmem:s24+$0x6000] =	vst v0  }
0x73: {  	[tilespmem:s24+$0x6010] =	vst v0  }
0x74: {  	[tilespmem:s24+$0x6020] =	vst v0  }
0x75: {  	[tilespmem:s24+$0x6030] =	vst v0  }
0x76: {  	[tilespmem:s24+$0x6040] =	vst v0  }
0x77: {  	s29 =	sor.u32 $0xE0, s16;
	[tilespmem:s24+$0x6050] =	vst v0  }
0x78: {  	s30 =	sor.u32 s4, s29;
	[tilespmem:s24+$0x6060] =	vst v0  }
0x79: {  	v30 =	vmov s30;
	s28 =	sand.u32 $0xFFF0, s24;
	[tilespmem:s24+$0x6070] =	vst v0  }
0x7a: {  	[tilespmem:s28+$0x6080] =	vst v0  }
0x7b: {  	[tilespmem:s24+$0x6090] =	vst v0  }
0x7c: {  	[tilespmem:s24+$0x60A0] =	vst v0  }
0x7d: {  	[tilespmem:s24+$0x60B0] =	vst v0  }
0x7e: {  	s31 =	smul.u32 $0xD0, s29;
	v31 =	vld.idx.msk [tilespmem:v30+s17+$0x0], $0xffff  }
0x7f: {  	v32 =	vld.idx.msk [tilespmem:v30+s11+$0x0], $0xffff  }
0x80: {  	v33 =	vld.idx.msk [tilespmem:v30+s12+$0x0], $0xffff;
	[tilespmem:s31+$0x6000] =	vst v0  }
0x81: {  	[tilespmem:s31+$0x6010] =	vst v0  }
0x82: {  	[tilespmem:s31+$0x6020] =	vst v0  }
0x83: {  	[tilespmem:s31+$0x6030] =	vst v0  }
0x84: {  	[tilespmem:s31+$0x6040] =	vst v0  }
0x85: {  	[tilespmem:s31+$0x6050] =	vst v0  }
0x86: {  	[tilespmem:s31+$0x6060] =	vst v0  }
0x87: {  	s25 =	sand.u32 $0xFFF0, s31;
	[tilespmem:s31+$0x6070] =	vst v0  }
0x88: {  	v42 =	vlaneseq.u32;
	v41 =	vmov s18;
	v39 =	vmov s19;
	[tilespmem:s25+$0x6080] =	vst v0  }
0x89: {  	v48 =	vmovc v41;
	v40 =	vmov s20;
	s18 =	sadd.s32 $0xC0, s18;
	v37 =	vmov s21;
	s19 =	sadd.s32 $0xC0, s19;
	v35 =	vmov s22;
	[tilespmem:s31+$0x6090] =	vst v0  }
0x8a: {  	v50 =	vmovc v39;
	v49 =	vmovc v40;
	s20 =	sadd.s32 $0xC0, s20;
	v38 =	vmov s23;
	s21 =	sadd.s32 $0xC0, s21;
	v36 =	vmov s24;
	v34 =	vmov s31;
	s22 =	sadd.s32 $0xC0, s22;
	[tilespmem:s31+$0x60A0] =	vst v0  }
0x8b: {  	v47 =	vmovc v37;
	v46 =	vmovc v35;
	v45 =	vmov v38;
	v43 =	vmov v34;
	v44 =	vmov v36;
	s23 =	sadd.s32 $0xC0, s23;
	s24 =	sadd.s32 $0xC0, s24;
	s25 =	sadd.s32 $0xC0, s31;
	[tilespmem:s31+$0x60B0] =	vst v0  }
.LBB2_3:
0x8c: {  	s26 =	sshra.s32 s17, $0x2  }
0x8d: {  	(v2sf) =	vpush v48, $0x0;
	v51 =	vld [tilespmem:s26+$0x0]  }
0x8e: {  	v52 =	vld [tilespmem:s26+$0x2000];
	(v2sf) =	vpush v50, $0x0  }
0x8f: {  	v53 =	vld [tilespmem:s26+$0x4000];
	(v2sf) =	vpush v49, $0x0  }
0x90: {  	(v2sf) =	vpush v47, $0x0  }
0x91: {  	(v2sf) =	vpush v46, $0x0  }
0x92: {  	(v2sf) =	vpush v45, $0x0  }
0x93: {  	v54 =	vsub.f32 v51, v3;
	v55 =	vsub.f32 v52, v4  }
0x94: {  	vm1 =	vne.s32 v42, v2;
	v56 =	vsub.f32 v53, v5;
	v60 =	vsub.f32 v51, v7  }
0x95: {  	vm2 =	vne.s32 v42, v6;
	v61 =	vsub.f32 v52, v8;
	v57 =	vsub.f32 v51, v11  }
0x96: {  	(v2sf) =	vpush v44, $0x0;
	v54 =	vmul.f32 v54, v54;
	v55 =	vmul.f32 v55, v55  }
0x97: {  	vm3 =	vne.s32 v42, v10;
	v58 =	vsub.f32 v52, v12;
	(v2sf) =	vpush v43, $0x0  }
0x98: {  	v59 =	vmul.f32 v56, v56;
	v57 =	vmul.f32 v57, v57;
	v54 =	vadd.f32 v55, v54  }
0x99: {  	v58 =	vmul.f32 v58, v58;
	v55 =	vmul.f32 v60, v60;
	v60 =	vsub.f32 v53, v13  }
0x9a: {  	v56 =	vmul.f32 v61, v61;
	v54 =	vadd.f32 v59, v54;
	v59 =	vsub.f32 v53, v9  }
0x9b: {  	v63 =	vadd.f32 v58, v57;
	v57 =	vsub.f32 v53, v21;
	v61 =	vmul.f32 v60, v60  }
0x9c: {  	v55 =	vadd.f32 v56, v55;
	v60 =	vsub.f32 v53, v17;
	v62 =	vmul.f32 v59, v59  }
0x9d: {  	vm0 =	vle.f32 v54, $1.439999980e-02;
	v54 =	vadd.f32 v61, v63;
	v63 =	vsub.f32 v52, v16  }
0x9e: {  	vm4 =	vne.s32 v42, v14;
	v55 =	vadd.f32 v62, v55;
	v62 =	vsub.f32 v51, v15  }
0x9f: {  	v57 =	vmul.f32 v57, v57;
	v61 =	vsub.f32 v51, v19;
	v56 =	vmul.f32 v63, v63  }
0xa0: {  	vm12 =	vle.f32 v55, $1.439999980e-02;
	v55 =	vmul.f32 v62, v62;
	v62 =	vsub.f32 v52, v20  }
0xa1: {  	v58 =	vmul.f32 v61, v61;
	vm13 =	vle.f32 v54, $1.439999980e-02;
	v54 =	vsub.f32 v51, v23  }
0xa2: {  	v55 =	vadd.f32 v56, v55;
	v56 =	vmul.f32 v60, v60;
	v59 =	vmul.f32 v62, v62  }
0xa3: {  	vm0 =	vmand vm1, vm0;
	v54 =	vmul.f32 v54, v54;
	v60 =	vsub.f32 v52, v24  }
0xa4: {  	vm1 =	vmand vm2, vm12;
	v55 =	vadd.f32 v56, v55;
	v63 =	vadd.f32 v59, v58  }
0xa5: {  	s28 =	spop (v2sf);
	v61 =	vmul.f32 v60, v60;
	v60 =	vsub.f32 v51, v27;
	v51 =	vsub.f32 v51, v31  }
0xa6: {  	s29 =	smov.u32 s18;
	p0 =	slt.s32 s28, s18;
	s30 =	spop (v2sf);
	vm2 =	vmand vm3, vm13;
	v62 =	vadd.f32 v57, v63;
	v63 =	vsub.f32 v53, v25  }
0xa7: {  	s29 =	smov.u32 @p0 s28;
	p0 =	slt.s32 s30, s19;
	s28 =	smov.u32 s19;
	vm14 =	vle.f32 v55, $1.439999980e-02;
	v54 =	vadd.f32 v61, v54;
	v61 =	vsub.f32 v52, v28  }
0xa8: {  	s31 =	spop (v2sf);
	s28 =	smov.u32 @p0 s30;
	v52 =	vsub.f32 v52, v32;
	v55 =	vmul.f32 v60, v60;
	v51 =	vmul.f32 v51, v51  }
0xa9: {  	[tilespmem:s29+$0x6000] =	vst.msk vm0, v42;
	p0 =	slt.s32 s31, s20;
	s29 =	smov.u32 s20;
	s30 =	spop (v2sf);
	vm5 =	vle.f32 v62, $1.439999980e-02;
	v62 =	vsub.f32 v53, v29;
	v57 =	vmul.f32 v61, v61  }
0xaa: {  	s29 =	smov.u32 @p0 s31;
	p0 =	slt.s32 s30, s21;
	[tilespmem:s28+$0x6000] =	vst.msk vm1, v42;
	s28 =	smov.u32 s21;
	v56 =	vmul.f32 v63, v63;
	v53 =	vsub.f32 v53, v33;
	v52 =	vmul.f32 v52, v52  }
0xab: {  	s31 =	spop (v2sf);
	s28 =	smov.u32 @p0 s30;
	vm3 =	vmand vm4, vm14;
	v55 =	vadd.f32 v57, v55;
	v63 =	vmul.f32 v62, v62  }
0xac: {  	[tilespmem:s29+$0x6000] =	vst.msk vm2, v42;
	p0 =	slt.s32 s31, s22;
	s29 =	smov.u32 s22;
	s30 =	spop (v2sf);
	v54 =	vadd.f32 v56, v54;
	v51 =	vadd.f32 v52, v51;
	v59 =	vmul.f32 v53, v53  }
0xad: {  	vm6 =	vne.s32 v42, v18;
	vm12 =	vne.s32 v42, v22;
	s29 =	smov.u32 @p0 s31;
	p0 =	slt.s32 s30, s23;
	[tilespmem:s28+$0x6000] =	vst.msk vm3, v42;
	s28 =	smov.u32 s23;
	v60 =	vadd.f32 v63, v55  }
0xae: {  	s31 =	spop (v2sf);
	vm15 =	vmand vm6, vm5;
	s28 =	smov.u32 @p0 s30;
	vm11 =	vle.f32 v54, $1.439999980e-02;
	v51 =	vadd.f32 v59, v51  }
0xaf: {  	vm7 =	vne.s32 v42, v26;
	p0 =	slt.s32 s31, s24;
	s30 =	spop (v2sf);
	[tilespmem:s29+$0x6000] =	vst.msk vm15, v42;
	s29 =	smov.u32 s24;
	vm5 =	vmand vm12, vm11;
	vm13 =	vle.f32 v60, $1.439999980e-02  }
0xb0: {  	vm8 =	vne.s32 v42, v30;
	s29 =	smov.u32 @p0 s31;
	p0 =	slt.s32 s30, s25;
	[tilespmem:s28+$0x6000] =	vst.msk vm5, v42;
	vm14 =	vle.f32 v51, $1.439999980e-02;
	s28 =	smov.u32 s25;
	vm6 =	vmand vm7, vm13  }
0xb1: {  	vm7 =	vmand vm8, vm14;
	s28 =	smov.u32 @p0 s30;
	[tilespmem:s29+$0x6000] =	vst.msk vm6, v42  }
0xb2: {  	v61 =	vmpcnt.ones.xlane vm0;
	[tilespmem:s28+$0x6000] =	vst.msk vm7, v42  }
0xb3: {  	v62 =	vmpcnt.ones.xlane vm1;
	v51 =	vld [tilespmem:s26+$0x10]  }
0xb4: {  	v48 =	vadd.s32 v48, v61;
	v63 =	vmpcnt.ones.xlane vm2;
	v52 =	vld [tilespmem:s26+$0x2010]  }
0xb5: {  	v61 =	vmpcnt.ones.xlane vm3;
	(v2sf) =	vpush v48, $0x0;
	v50 =	vadd.s32 v50, v62;
	v54 =	vld [tilespmem:s26+$0x4010]  }
0xb6: {  	v62 =	vmpcnt.ones.xlane vm15;
	(v2sf) =	vpush v50, $0x0;
	v49 =	vadd.s32 v49, v63  }
0xb7: {  	v47 =	vadd.s32 v47, v61;
	(v2sf) =	vpush v49, $0x0;
	v61 =	vmpcnt.ones.xlane vm6  }
0xb8: {  	v46 =	vadd.s32 v46, v62;
	v57 =	vmpcnt.ones.xlane vm7;
	(v2sf) =	vpush v47, $0x0  }
0xb9: {  	(v2sf) =	vpush v46, $0x0;
	v44 =	vadd.s32 v44, v61;
	v55 =	vsub.f32 v51, v3  }
0xba: {  	v43 =	vadd.s32 v43, v57;
	v60 =	vsub.f32 v52, v4;
	v63 =	vsub.f32 v54, v5  }
0xbb: {  	v58 =	vsub.f32 v51, v11;
	v59 =	vsub.f32 v52, v12;
	v55 =	vmul.f32 v55, v55  }
0xbc: {  	v61 =	vsub.f32 v52, v16;
	v56 =	vmul.f32 v60, v60;
	v60 =	vmpcnt.ones.xlane vm5  }
0xbd: {  	v62 =	vmul.f32 v63, v63;
	v63 =	vsub.f32 v51, v7;
	v58 =	vmul.f32 v58, v58  }
0xbe: {  	v59 =	vmul.f32 v59, v59;
	v55 =	vadd.f32 v56, v55;
	v45 =	vadd.s32 v45, v60  }
0xbf: {  	v60 =	vsub.f32 v52, v8;
	v53 =	vmul.f32 v63, v63;
	v63 =	vsub.f32 v54, v13  }
0xc0: {  	v61 =	vmul.f32 v61, v61;
	v58 =	vadd.f32 v59, v58;
	(v2sf) =	vpush v45, $0x0  }
0xc1: {  	v55 =	vadd.f32 v62, v55;
	v56 =	vmul.f32 v60, v60;
	v60 =	vsub.f32 v51, v15  }
0xc2: {  	v62 =	vsub.f32 v54, v9;
	v59 =	vmul.f32 v63, v63;
	(v2sf) =	vpush v44, $0x0  }
0xc3: {  	v63 =	vsub.f32 v52, v20;
	(v2sf) =	vpush v43, $0x0;
	v60 =	vmul.f32 v60, v60  }
0xc4: {  	v53 =	vadd.f32 v56, v53;
	v56 =	vmul.f32 v62, v62;
	v62 =	vsub.f32 v54, v17  }
0xc5: {  	vm15 =	vle.f32 v55, $1.439999980e-02;
	v55 =	vsub.f32 v54, v21;
	v60 =	vadd.f32 v61, v60  }
0xc6: {  	v61 =	vmul.f32 v62, v62;
	v62 =	vsub.f32 v51, v19;
	v53 =	vadd.f32 v56, v53  }
0xc7: {  	v56 =	vadd.f32 v59, v58;
	v59 =	vmul.f32 v63, v63;
	v55 =	vmul.f32 v55, v55  }
0xc8: {  	v63 =	vsub.f32 v54, v25;
	v57 =	vadd.f32 v61, v60;
	v58 =	vmul.f32 v62, v62  }
0xc9: {  	v60 =	vadd.s32 $0x10, v42;
	vm8 =	vle.f32 v53, $1.439999980e-02;
	v61 =	vsub.f32 v51, v23  }
0xca: {  	vm9 =	vle.f32 v56, $1.439999980e-02;
	v62 =	vsub.f32 v52, v24;
	v42 =	vadd.s32 $0x20, v42  }
0xcb: {  	vm10 =	vne.s32 v60, v2;
	vm13 =	vne.s32 v60, v6;
	vm14 =	vne.s32 v60, v10  }
0xcc: {  	v58 =	vadd.f32 v59, v58;
	v53 =	vmul.f32 v61, v61;
	v56 =	vmul.f32 v62, v62  }
0xcd: {  	s26 =	spop (v2sf);
	v61 =	vmul.f32 v63, v63;
	vm11 =	vle.f32 v57, $1.439999980e-02;
	v62 =	vsub.f32 v51, v27  }
0xce: {  	s29 =	smov.u32 s18;
	p0 =	slt.s32 s26, s18;
	s28 =	spop (v2sf);
	v63 =	vsub.f32 v52, v28;
	vm3 =	vmand vm10, vm15;
	vm0 =	vmand vm13, vm8  }
0xcf: {  	s29 =	smov.u32 @p0 s26;
	s26 =	smov.u32 s19;
	p0 =	slt.s32 s28, s19;
	v51 =	vsub.f32 v51, v31;
	v52 =	vsub.f32 v52, v32;
	vm1 =	vmand vm14, vm9  }
0xd0: {  	s30 =	spop (v2sf);
	s26 =	smov.u32 @p0 s28;
	vm15 =	vne.s32 v60, v14;
	vm9 =	vne.s32 v60, v18;
	vm13 =	vne.s32 v60, v26  }
0xd1: {  	s28 =	smov.u32 s20;
	p0 =	slt.s32 s30, s20;
	vm4 =	vmand vm15, vm11;
	vm11 =	vne.s32 v60, v22;
	[tilespmem:s29+$0x6000] =	vst.msk vm3, v60;
	s29 =	spop (v2sf);
	v53 =	vadd.f32 v56, v53  }
0xd2: {  	s28 =	smov.u32 @p0 s30;
	s30 =	smov.u32 s21;
	v55 =	vadd.f32 v55, v58;
	v51 =	vmul.f32 v51, v51;
	v52 =	vmul.f32 v52, v52;
	p0 =	slt.s32 s29, s21  }
0xd3: {  	[tilespmem:s26+$0x6000] =	vst.msk vm0, v60;
	s26 =	spop (v2sf);
	s30 =	smov.u32 @p0 s29;
	v53 =	vadd.f32 v61, v53;
	v61 =	vmul.f32 v62, v62;
	v62 =	vmul.f32 v63, v63  }
0xd4: {  	[tilespmem:s28+$0x6000] =	vst.msk vm1, v60;
	p0 =	slt.s32 s26, s22;
	s29 =	smov.u32 s22;
	vm12 =	vle.f32 v55, $1.439999980e-02;
	v63 =	vsub.f32 v54, v29;
	v54 =	vsub.f32 v54, v33;
	s28 =	spop (v2sf)  }
0xd5: {  	v51 =	vadd.f32 v52, v51;
	s29 =	smov.u32 @p0 s26;
	s26 =	smov.u32 s23;
	vm2 =	vmand vm9, vm12;
	v55 =	vadd.f32 v62, v61;
	p0 =	slt.s32 s28, s23  }
0xd6: {  	[tilespmem:s30+$0x6000] =	vst.msk vm4, v60;
	v56 =	vmul.f32 v63, v63;
	v61 =	vmul.f32 v54, v54;
	vm10 =	vle.f32 v53, $1.439999980e-02;
	s30 =	spop (v2sf);
	s26 =	smov.u32 @p0 s28  }
0xd7: {  	vm15 =	vne.s32 v60, v30;
	v57 =	vmpcnt.ones.xlane vm1;
	[tilespmem:s29+$0x6000] =	vst.msk vm2, v60;
	vm5 =	vmand vm11, vm10;
	p0 =	slt.s32 s30, s24;
	s28 =	smov.u32 s24;
	s29 =	spop (v2sf)  }
0xd8: {  	v58 =	vmpcnt.ones.xlane vm4;
	v62 =	vadd.f32 v56, v55;
	v51 =	vadd.f32 v61, v51;
	[tilespmem:s26+$0x6000] =	vst.msk vm5, v60;
	s28 =	smov.u32 @p0 s30;
	p0 =	slt.s32 s29, s25;
	s26 =	smov.u32 s25  }
0xd9: {  	v49 =	vadd.s32 v49, v57;
	v63 =	vmpcnt.ones.xlane vm3;
	v59 =	vmpcnt.ones.xlane vm2;
	s26 =	smov.u32 @p0 s29;
	p0 =	sne.s32 s17, $0x7F80  }
.Ltmp0:
0xda: {  	v56 =	vmpcnt.ones.xlane vm0;
	vm12 =	vle.f32 v62, $1.439999980e-02;
	vm14 =	vle.f32 v51, $1.439999980e-02;
	(pc) =	sbr.rel @p0 .LBB2_3-.Ltmp0, $4  }
0xdb: {  	v61 =	vmpcnt.ones.xlane vm5;
	vm6 =	vmand vm13, vm12;
	vm3 =	vmand vm15, vm14  }
0xdc: {  	v48 =	vadd.s32 v48, v63;
	v62 =	vmpcnt.ones.xlane vm6;
	v63 =	vmpcnt.ones.xlane vm3  }
0xdd: {  	v47 =	vadd.s32 v47, v58;
	v46 =	vadd.s32 v46, v59;
	v50 =	vadd.s32 v50, v56;
	[tilespmem:s28+$0x6000] =	vst.msk vm6, v60  }
0xde: {  	v45 =	vadd.s32 v45, v61;
	s17 =	sadd.s32 $0x80, s17;
	[tilespmem:s26+$0x6000] =	vst.msk vm3, v60;
	v44 =	vadd.s32 v44, v62;
	v43 =	vadd.s32 v43, v63  }
0xdf: {  	v2 =	vsub.s32 v48, v41  }
0xe0: {  	vm0 =	vgt.s32 v1, v2  }
0xe1: {  	v1 =	vsel vm0, v1, v2;
	v2 =	vsub.s32 v50, v39  }
0xe2: {  	vm0 =	vgt.s32 v1, v2  }
0xe3: {  	v1 =	vsel vm0, v1, v2;
	v2 =	vsub.s32 v49, v40  }
0xe4: {  	vm0 =	vgt.s32 v1, v2  }
0xe5: {  	v1 =	vsel vm0, v1, v2;
	v2 =	vsub.s32 v47, v37  }
0xe6: {  	vm0 =	vgt.s32 v1, v2  }
0xe7: {  	v1 =	vsel vm0, v1, v2;
	v2 =	vsub.s32 v46, v35  }
0xe8: {  	vm0 =	vgt.s32 v1, v2  }
0xe9: {  	s16 =	sadd.s32 $0x1, s16;
	v1 =	vsel vm0, v1, v2;
	v2 =	vsub.s32 v45, v38  }
0xea: {  	p0 =	sne.s32 s16, $0x20;
	vm0 =	vgt.s32 v1, v2  }
.Ltmp1:
0xeb: {  	v1 =	vsel vm0, v1, v2;
	v2 =	vsub.s32 v44, v36;
	(pc) =	sbr.rel @p0 .LBB2_2-.Ltmp1, $4  }
0xec: {  	vm0 =	vgt.s32 v1, v2  }
0xed: {  	v1 =	vsel vm0, v1, v2;
	v2 =	vsub.s32 v43, v34  }
0xee: {  	vm0 =	vgt.s32 v1, v2  }
0xef: {  	v1 =	vsel vm0, v1, v2  }
0xf0: {  	[hbm4b:s7+s3] =	stream.linear.scatter [tilespmem:s13], [sflag:$0x1], $0xD000, $0x38;
	[tilespmem:$0x13100] =	vst v63  }
0xf1: {  	_ =	swait.ge [sflag:s10], $0xD000  }
0xf2: {  	s15 =	sadd.s32 $0x1, s15;
	[sflag:s10] =	ssyncset.done $0x0  }
0xf3: {  	p0 =	sne.s32 s15, s9;
	[sflag:s10] =	ssyncadd.s32 $0xFFFF3000  }
.Ltmp2:
0xf4: {  	[tilespmem:$0x13080] =	vst v1;
	(pc) =	sbr.rel @p0 .LBB2_1-.Ltmp2, $4  }
0xf5: {  	[hbm4b:s8+s3] =	stream.linear.scatter [tilespmem:s14], [sflag:$0x1], $0x10, $0x38;
	[tilespmem:$0x13100] =	vst v63  }
0xf6: {  	_ =	swait.ge [sflag:s10], $0x10  }
0xf7: {  	[sflag:s10] =	ssyncset.done $0x0  }
0xf8: {  	[sflag:s10] =	ssyncadd.s32 $0xFFFFFFF0  }
0xf9: {  	_ =	sfence.sel $0x180000  }
0xfa: {  	[bflag:$0x0] =	sbarrier.arrive $0xFFFF  }
0xfb: {  	p0 =	sne.s32 s2, $0x0;
	_ =	strace $0x90000047  }
0xfc: {  	s0 =	sadd.s32 @!p0 $0x100000, s0;
	[bflag:$0x2] =	sbarrier.arrive $0xFFFF  }
0xfd: {  	[sflag:s0] =	ssyncadd.tile.s32 @!p0 $0x1;
	_ =	shalt  }
.Lfunc_end2:
_tile_overlayer_lowered:
.L_overlay_start_2:
0xfe: {  	(tag) =	ssettag $0x2  }
0xff: {  	s0 =	rddreg [dreg:$0x0];
	s2 =	stileid.u32  }
0x100: {  	s1 =	rddreg [dreg:$0x1];
	p0 =	sne.s32 s2, $0x0  }
0x101: {  	s3 =	rddreg [dreg:$0x2];
	[bflag:$0x3] =	sbarrier.arrive $0xFFFF;
	s2 =	simm.s32 @!p0 $0x1C01  }
0x102: {  	[timem:s3], [sflag:s2] =	dma.local @!p0 [hbm:s0], s1  }
0x103: {  	s0 =	simm.s32 @!p0 $0x1  }
0x104: {  	_ =	swait.ge @!p0 [sflag:s0], s1  }
0x105: {  	s1 =	ssub.s32 @!p0 $0x0, s1;
	[sflag:s0] =	ssyncset.done @!p0 $0x0  }
0x106: {  	[sflag:s0] =	ssyncadd.s32 @!p0 s1  }
0x107: {  	[bflag:$0x3] =	sbarrier.arrive $0xFFFF  }
0x108: {  	_ =	shalt  }

</sc_bundles>
